<compile_context>
chip_gen: v7x
topology: tpu7x:2x2x1
jax: 0.10.2.dev20260603
libtpu: 0.0.44.dev20260713+nightly
codegen_flags: <defaults>
</compile_context>

<pallas_src>
import functools

import jax
import jax.numpy as jnp
from jax import lax
from jax.experimental import pallas as pl
from jax.experimental.pallas import tpu as pltpu
from jax.experimental.pallas import tpu_sc as plsc

BATCH = 16384
FIELDS = 26
VOCAB = 1000000
VOCAB_PAD = 977 * 1024
NC = 2
NS = 16
NW = NC * NS
BPW = BATCH // NW
IPW = BPW * FIELDS
LANES = 16
GF = 2
NG = FIELDS // GF
GW = GF * BPW


def _body(emb_ref, tail_ref, xt_ref, bias_ref, out_ref,
          xv, gv, accv, bv, spm, ss0, ss1, gs0, gs1, ts):
    wid = lax.axis_index("s") * NC + lax.axis_index("c")
    base = wid * BPW
    ssem = (ss0, ss1)
    gsem = (gs0, gs1)

    sid = lax.axis_index("s")
    tchunk = 61 * 1024
    tload = [
        pltpu.async_copy(
            emb_ref.at[pl.ds(sid * tchunk, tchunk)],
            spm.at[pl.ds(sid * tchunk, tchunk)],
            ts,
        ),
        pltpu.async_copy(
            tail_ref,
            spm.at[pl.ds(NS * tchunk, 1024)],
            ts,
        ),
    ]

    def fire_stage(g):
        return [
            pltpu.async_copy(
                xt_ref.at[g * GF + j, pl.ds(base, BPW)],
                xv.at[pl.ds((g * GF + j) * BPW, BPW)],
                ssem[g % 2],
            )
            for j in range(GF)
        ]

    def fire_gather(g):
        return pltpu.async_copy(
            spm.at[xv.at[pl.ds(g * GW, GW)]],
            gv.at[pl.ds(g * GW, GW)],
            gsem[g % 2],
        )

    stage_h = {g: fire_stage(g) for g in range(min(4, NG))}
    pltpu.sync_copy(bias_ref, bv)
    for h in tload:
        h.wait()
    plsc.subcore_barrier()
    gather_h = {}
    for g in (0, 1):
        for h in stage_h[g]:
            h.wait()
        gather_h[g] = fire_gather(g)
    bvec = bv[...]

    for g in range(NG):
        gather_h[g].wait()
        if g + 2 < NG:
            for h in stage_h[g + 2]:
                h.wait()
            gather_h[g + 2] = fire_gather(g + 2)
        if g + 4 < NG:
            stage_h[g + 4] = fire_stage(g + 4)

        def chunk(c, _, g=g):
            off = c * LANES
            acc = bvec if g == 0 else accv[pl.ds(off, LANES)]
            for j in range(GF):
                acc = acc + gv[pl.ds((g * GF + j) * BPW + off, LANES)]
            accv[pl.ds(off, LANES)] = acc
            return _

        lax.fori_loop(0, BPW // LANES, chunk, None)

    pltpu.sync_copy(accv, out_ref.at[pl.ds(base, BPW)])


@functools.partial(jax.jit, static_argnames=())
def kernel(x, emb, bias):
    xt = x.T.astype(jnp.int32)
    head = 16 * 61 * 1024
    emb_head = emb[:head].reshape(-1)
    emb_tail = jnp.pad(
        emb[head:], ((0, VOCAB_PAD - VOCAB), (0, 0))
    ).reshape(-1)
    bias16 = jnp.broadcast_to(bias, (LANES,))

    call = pl.kernel(
        _body,
        out_type=jax.ShapeDtypeStruct((BATCH,), jnp.float32),
        mesh=plsc.VectorSubcoreMesh(core_axis_name="c", subcore_axis_name="s"),
        scratch_types=[
            pltpu.VMEM((IPW,), jnp.int32),
            pltpu.VMEM((IPW,), jnp.float32),
            pltpu.VMEM((BPW,), jnp.float32),
            pltpu.VMEM((LANES,), jnp.float32),
            pltpu.VMEM_SHARED((VOCAB_PAD,), jnp.float32),
            pltpu.SemaphoreType.DMA,
            pltpu.SemaphoreType.DMA,
            pltpu.SemaphoreType.DMA,
            pltpu.SemaphoreType.DMA,
            pltpu.SemaphoreType.DMA,
        ],
    )
    out = call(emb_head, emb_tail, xt, bias16)
    return out.reshape(BATCH, 1)

# --- scband reference (transcript-rebuilt; emitter-appended) ---
"""Pipeline reference for scband-features-linear-49538152792872 (READ-ONLY COPY).

The authoritative reference and input builder live on the scoring server;
editing this copy changes nothing except your own understanding.
"""

import jax, jax.numpy as jnp
import numpy as np

FIELD_DIMS = 1000000
OUTPUT_DIM = 1
BATCH = 16384
NUM_FIELDS = 26

def setup_inputs(seed: int = 0) -> dict:
    key = jax.random.key(seed)
    k1, k2 = jax.random.split(key)
    x = jax.random.randint(k1, (BATCH, NUM_FIELDS), 0, FIELD_DIMS, dtype=jnp.int64 if jax.config.jax_enable_x64 else jnp.int32)
    emb = jax.random.normal(k2, (FIELD_DIMS, OUTPUT_DIM), dtype=jnp.float32) * 0.01
    bias = jnp.zeros((OUTPUT_DIM,), dtype=jnp.float32)
    return {"x": x, "emb": emb, "bias": bias}

def reference(x, emb, bias):
    # torch: torch.sum(self.emb(x), dim=1) + self.bias
    gathered = jnp.take(emb, x, axis=0)  # [B, F, output_dim]
    return jnp.sum(gathered, axis=1) + bias  # [B, output_dim]

if __name__ == "__main__":
    import jax
    _d = setup_inputs()
    print(jax.jit(kernel)(*tuple(_d.values())))

</pallas_src>

<mosaic_0001>
#map = affine_map<(d0, d1) -> (0)>
#map1 = affine_map<(d0, d1) -> (0, 0)>
module attributes {stable_mosaic.version = 14 : i64} {
  func.func @_body(%arg0: i32, %arg1: i32, %arg2: memref<999424xf32, #tpu.memory_space<hbm>>, %arg3: memref<1024xf32, #tpu.memory_space<hbm>>, %arg4: memref<26x16384xi32, #tpu.memory_space<hbm>>, %arg5: memref<16xf32, #tpu.memory_space<hbm>>, %arg6: memref<16384xf32, #tpu.memory_space<hbm>>, %arg7: memref<13312xi32, #tpu.memory_space<vmem>>, %arg8: memref<13312xf32, #tpu.memory_space<vmem>>, %arg9: memref<512xf32, #tpu.memory_space<vmem>>, %arg10: memref<16xf32, #tpu.memory_space<vmem>>, %arg11: memref<1000448xf32, #tpu.memory_space<vmem_shared>>, %arg12: memref<!tpu.dma_semaphore, #tpu.memory_space<semaphore_mem>>, %arg13: memref<!tpu.dma_semaphore, #tpu.memory_space<semaphore_mem>>, %arg14: memref<!tpu.dma_semaphore, #tpu.memory_space<semaphore_mem>>, %arg15: memref<!tpu.dma_semaphore, #tpu.memory_space<semaphore_mem>>, %arg16: memref<!tpu.dma_semaphore, #tpu.memory_space<semaphore_mem>>) attributes {dimension_semantics = [#tpu.dimension_semantics<core_parallel>, #tpu.dimension_semantics<subcore_parallel>], iteration_bounds = array<i64: 2, 16>, scalar_prefetch = 0 : i64, scratch_operands = 10 : i64, tpu.core_type = #tpu.core_type<sc_vector_subcore>, window_params = [{transform_indices = #map}, {transform_indices = #map}, {transform_indices = #map1}, {transform_indices = #map}, {transform_indices = #map}]} {
    %mul3A = arith.constant 2 : i32
    %mul3A_0 = arith.muli %arg1, %mul3A : i32
    %add3A = arith.addi %mul3A_0, %arg0 : i32
    %mul3A_1 = arith.constant 512 : i32
    %mul3A_2 = arith.muli %add3A, %mul3A_1 : i32
    %mul3A_3 = arith.constant 62464 : i32
    %mul3A_4 = arith.muli %arg1, %mul3A_3 : i32
    %mul3A_5 = arith.constant 62464 : i32
    %mul3A_6 = arith.muli %arg1, %mul3A_5 : i32
    %dma_start3A = tpu.memref_slice %arg11[%mul3A_6] : memref<1000448xf32, #tpu.memory_space<vmem_shared>> -> memref<62464xf32, #tpu.memory_space<vmem_shared>>
    %dma_start3A_7 = tpu.memref_slice %arg2[%mul3A_4] : memref<999424xf32, #tpu.memory_space<hbm>> -> memref<62464xf32, #tpu.memory_space<hbm>>
    tpu.enqueue_dma source(%dma_start3A_7 : memref<62464xf32, #tpu.memory_space<hbm>>) target(%dma_start3A : memref<62464xf32, #tpu.memory_space<vmem_shared>>) target_semaphore(%arg16 : memref<!tpu.dma_semaphore, #tpu.memory_space<semaphore_mem>>)
    %dma_start3A_8 = arith.constant 999424 : i32
    %dma_start3A_9 = tpu.memref_slice %arg11[%dma_start3A_8] : memref<1000448xf32, #tpu.memory_space<vmem_shared>> -> memref<1024xf32, #tpu.memory_space<vmem_shared>>
    tpu.enqueue_dma source(%arg3 : memref<1024xf32, #tpu.memory_space<hbm>>) target(%dma_start3A_9 : memref<1024xf32, #tpu.memory_space<vmem_shared>>) target_semaphore(%arg16 : memref<!tpu.dma_semaphore, #tpu.memory_space<semaphore_mem>>)
    %dma_start3A_10 = arith.constant 0 : i32
    %dma_start3A_11 = arith.constant 0 : i32
    %dma_start3A_12 = tpu.memref_slice %arg7[%dma_start3A_11] : memref<13312xi32, #tpu.memory_space<vmem>> -> memref<512xi32, #tpu.memory_space<vmem>>
    %dma_start3A_13 = tpu.memref_slice %arg4[%dma_start3A_10, %mul3A_2] : memref<26x16384xi32, #tpu.memory_space<hbm>> -> memref<1x512xi32, #tpu.memory_space<hbm>>
    %dma_start3A_14 = tpu.memref_squeeze %dma_start3A_13 : memref<1x512xi32, #tpu.memory_space<hbm>> -> memref<512xi32, #tpu.memory_space<hbm>>
    %dma_start3A_15 = arith.constant 0 : i32
    %dma_start3A_16 = tpu.memref_slice %arg7[%dma_start3A_15] : memref<13312xi32, #tpu.memory_space<vmem>> -> memref<512xi32, #tpu.memory_space<vmem>>
    %dma_start3A_17 = tpu.memref_slice %arg4[%dma_start3A_10, %mul3A_2] : memref<26x16384xi32, #tpu.memory_space<hbm>> -> memref<1x512xi32, #tpu.memory_space<hbm>>
    %dma_start3A_18 = tpu.memref_squeeze %dma_start3A_17 : memref<1x512xi32, #tpu.memory_space<hbm>> -> memref<512xi32, #tpu.memory_space<hbm>>
    tpu.enqueue_dma source(%dma_start3A_18 : memref<512xi32, #tpu.memory_space<hbm>>) target(%dma_start3A_16 : memref<512xi32, #tpu.memory_space<vmem>>) target_semaphore(%arg12 : memref<!tpu.dma_semaphore, #tpu.memory_space<semaphore_mem>>)
    %dma_start3A_19 = arith.constant 1 : i32
    %dma_start3A_20 = arith.constant 512 : i32
    %dma_start3A_21 = tpu.memref_slice %arg7[%dma_start3A_20] : memref<13312xi32, #tpu.memory_space<vmem>> -> memref<512xi32, #tpu.memory_space<vmem>>
    %dma_start3A_22 = tpu.memref_slice %arg4[%dma_start3A_19, %mul3A_2] : memref<26x16384xi32, #tpu.memory_space<hbm>> -> memref<1x512xi32, #tpu.memory_space<hbm>>
    %dma_start3A_23 = tpu.memref_squeeze %dma_start3A_22 : memref<1x512xi32, #tpu.memory_space<hbm>> -> memref<512xi32, #tpu.memory_space<hbm>>
    %dma_start3A_24 = arith.constant 512 : i32
    %dma_start3A_25 = tpu.memref_slice %arg7[%dma_start3A_24] : memref<13312xi32, #tpu.memory_space<vmem>> -> memref<512xi32, #tpu.memory_space<vmem>>
    %dma_start3A_26 = tpu.memref_slice %arg4[%dma_start3A_19, %mul3A_2] : memref<26x16384xi32, #tpu.memory_space<hbm>> -> memref<1x512xi32, #tpu.memory_space<hbm>>
    %dma_start3A_27 = tpu.memref_squeeze %dma_start3A_26 : memref<1x512xi32, #tpu.memory_space<hbm>> -> memref<512xi32, #tpu.memory_space<hbm>>
    tpu.enqueue_dma source(%dma_start3A_27 : memref<512xi32, #tpu.memory_space<hbm>>) target(%dma_start3A_25 : memref<512xi32, #tpu.memory_space<vmem>>) target_semaphore(%arg12 : memref<!tpu.dma_semaphore, #tpu.memory_space<semaphore_mem>>)
    %dma_start3A_28 = arith.constant 2 : i32
    %dma_start3A_29 = arith.constant 1024 : i32
    %dma_start3A_30 = tpu.memref_slice %arg7[%dma_start3A_29] : memref<13312xi32, #tpu.memory_space<vmem>> -> memref<512xi32, #tpu.memory_space<vmem>>
    %dma_start3A_31 = tpu.memref_slice %arg4[%dma_start3A_28, %mul3A_2] : memref<26x16384xi32, #tpu.memory_space<hbm>> -> memref<1x512xi32, #tpu.memory_space<hbm>>
    %dma_start3A_32 = tpu.memref_squeeze %dma_start3A_31 : memref<1x512xi32, #tpu.memory_space<hbm>> -> memref<512xi32, #tpu.memory_space<hbm>>
    %dma_start3A_33 = arith.constant 1024 : i32
    %dma_start3A_34 = tpu.memref_slice %arg7[%dma_start3A_33] : memref<13312xi32, #tpu.memory_space<vmem>> -> memref<512xi32, #tpu.memory_space<vmem>>
    %dma_start3A_35 = tpu.memref_slice %arg4[%dma_start3A_28, %mul3A_2] : memref<26x16384xi32, #tpu.memory_space<hbm>> -> memref<1x512xi32, #tpu.memory_space<hbm>>
    %dma_start3A_36 = tpu.memref_squeeze %dma_start3A_35 : memref<1x512xi32, #tpu.memory_space<hbm>> -> memref<512xi32, #tpu.memory_space<hbm>>
    tpu.enqueue_dma source(%dma_start3A_36 : memref<512xi32, #tpu.memory_space<hbm>>) target(%dma_start3A_34 : memref<512xi32, #tpu.memory_space<vmem>>) target_semaphore(%arg13 : memref<!tpu.dma_semaphore, #tpu.memory_space<semaphore_mem>>)
    %dma_start3A_37 = arith.constant 3 : i32
    %dma_start3A_38 = arith.constant 1536 : i32
    %dma_start3A_39 = tpu.memref_slice %arg7[%dma_start3A_38] : memref<13312xi32, #tpu.memory_space<vmem>> -> memref<512xi32, #tpu.memory_space<vmem>>
    %dma_start3A_40 = tpu.memref_slice %arg4[%dma_start3A_37, %mul3A_2] : memref<26x16384xi32, #tpu.memory_space<hbm>> -> memref<1x512xi32, #tpu.memory_space<hbm>>
    %dma_start3A_41 = tpu.memref_squeeze %dma_start3A_40 : memref<1x512xi32, #tpu.memory_space<hbm>> -> memref<512xi32, #tpu.memory_space<hbm>>
    %dma_start3A_42 = arith.constant 1536 : i32
    %dma_start3A_43 = tpu.memref_slice %arg7[%dma_start3A_42] : memref<13312xi32, #tpu.memory_space<vmem>> -> memref<512xi32, #tpu.memory_space<vmem>>
    %dma_start3A_44 = tpu.memref_slice %arg4[%dma_start3A_37, %mul3A_2] : memref<26x16384xi32, #tpu.memory_space<hbm>> -> memref<1x512xi32, #tpu.memory_space<hbm>>
    %dma_start3A_45 = tpu.memref_squeeze %dma_start3A_44 : memref<1x512xi32, #tpu.memory_space<hbm>> -> memref<512xi32, #tpu.memory_space<hbm>>
    tpu.enqueue_dma source(%dma_start3A_45 : memref<512xi32, #tpu.memory_space<hbm>>) target(%dma_start3A_43 : memref<512xi32, #tpu.memory_space<vmem>>) target_semaphore(%arg13 : memref<!tpu.dma_semaphore, #tpu.memory_space<semaphore_mem>>)
    %dma_start3A_46 = arith.constant 4 : i32
    %dma_start3A_47 = arith.constant 2048 : i32
    %dma_start3A_48 = tpu.memref_slice %arg7[%dma_start3A_47] : memref<13312xi32, #tpu.memory_space<vmem>> -> memref<512xi32, #tpu.memory_space<vmem>>
    %dma_start3A_49 = tpu.memref_slice %arg4[%dma_start3A_46, %mul3A_2] : memref<26x16384xi32, #tpu.memory_space<hbm>> -> memref<1x512xi32, #tpu.memory_space<hbm>>
    %dma_start3A_50 = tpu.memref_squeeze %dma_start3A_49 : memref<1x512xi32, #tpu.memory_space<hbm>> -> memref<512xi32, #tpu.memory_space<hbm>>
    %dma_start3A_51 = arith.constant 2048 : i32
    %dma_start3A_52 = tpu.memref_slice %arg7[%dma_start3A_51] : memref<13312xi32, #tpu.memory_space<vmem>> -> memref<512xi32, #tpu.memory_space<vmem>>
    %dma_start3A_53 = tpu.memref_slice %arg4[%dma_start3A_46, %mul3A_2] : memref<26x16384xi32, #tpu.memory_space<hbm>> -> memref<1x512xi32, #tpu.memory_space<hbm>>
    %dma_start3A_54 = tpu.memref_squeeze %dma_start3A_53 : memref<1x512xi32, #tpu.memory_space<hbm>> -> memref<512xi32, #tpu.memory_space<hbm>>
    tpu.enqueue_dma source(%dma_start3A_54 : memref<512xi32, #tpu.memory_space<hbm>>) target(%dma_start3A_52 : memref<512xi32, #tpu.memory_space<vmem>>) target_semaphore(%arg12 : memref<!tpu.dma_semaphore, #tpu.memory_space<semaphore_mem>>)
    %dma_start3A_55 = arith.constant 5 : i32
    %dma_start3A_56 = arith.constant 2560 : i32
    %dma_start3A_57 = tpu.memref_slice %arg7[%dma_start3A_56] : memref<13312xi32, #tpu.memory_space<vmem>> -> memref<512xi32, #tpu.memory_space<vmem>>
    %dma_start3A_58 = tpu.memref_slice %arg4[%dma_start3A_55, %mul3A_2] : memref<26x16384xi32, #tpu.memory_space<hbm>> -> memref<1x512xi32, #tpu.memory_space<hbm>>
    %dma_start3A_59 = tpu.memref_squeeze %dma_start3A_58 : memref<1x512xi32, #tpu.memory_space<hbm>> -> memref<512xi32, #tpu.memory_space<hbm>>
    %dma_start3A_60 = arith.constant 2560 : i32
    %dma_start3A_61 = tpu.memref_slice %arg7[%dma_start3A_60] : memref<13312xi32, #tpu.memory_space<vmem>> -> memref<512xi32, #tpu.memory_space<vmem>>
    %dma_start3A_62 = tpu.memref_slice %arg4[%dma_start3A_55, %mul3A_2] : memref<26x16384xi32, #tpu.memory_space<hbm>> -> memref<1x512xi32, #tpu.memory_space<hbm>>
    %dma_start3A_63 = tpu.memref_squeeze %dma_start3A_62 : memref<1x512xi32, #tpu.memory_space<hbm>> -> memref<512xi32, #tpu.memory_space<hbm>>
    tpu.enqueue_dma source(%dma_start3A_63 : memref<512xi32, #tpu.memory_space<hbm>>) target(%dma_start3A_61 : memref<512xi32, #tpu.memory_space<vmem>>) target_semaphore(%arg12 : memref<!tpu.dma_semaphore, #tpu.memory_space<semaphore_mem>>)
    %dma_start3A_64 = arith.constant 6 : i32
    %dma_start3A_65 = arith.constant 3072 : i32
    %dma_start3A_66 = tpu.memref_slice %arg7[%dma_start3A_65] : memref<13312xi32, #tpu.memory_space<vmem>> -> memref<512xi32, #tpu.memory_space<vmem>>
    %dma_start3A_67 = tpu.memref_slice %arg4[%dma_start3A_64, %mul3A_2] : memref<26x16384xi32, #tpu.memory_space<hbm>> -> memref<1x512xi32, #tpu.memory_space<hbm>>
    %dma_start3A_68 = tpu.memref_squeeze %dma_start3A_67 : memref<1x512xi32, #tpu.memory_space<hbm>> -> memref<512xi32, #tpu.memory_space<hbm>>
    %dma_start3A_69 = arith.constant 3072 : i32
    %dma_start3A_70 = tpu.memref_slice %arg7[%dma_start3A_69] : memref<13312xi32, #tpu.memory_space<vmem>> -> memref<512xi32, #tpu.memory_space<vmem>>
    %dma_start3A_71 = tpu.memref_slice %arg4[%dma_start3A_64, %mul3A_2] : memref<26x16384xi32, #tpu.memory_space<hbm>> -> memref<1x512xi32, #tpu.memory_space<hbm>>
    %dma_start3A_72 = tpu.memref_squeeze %dma_start3A_71 : memref<1x512xi32, #tpu.memory_space<hbm>> -> memref<512xi32, #tpu.memory_space<hbm>>
    tpu.enqueue_dma source(%dma_start3A_72 : memref<512xi32, #tpu.memory_space<hbm>>) target(%dma_start3A_70 : memref<512xi32, #tpu.memory_space<vmem>>) target_semaphore(%arg13 : memref<!tpu.dma_semaphore, #tpu.memory_space<semaphore_mem>>)
    %dma_start3A_73 = arith.constant 7 : i32
    %dma_start3A_74 = arith.constant 3584 : i32
    %dma_start3A_75 = tpu.memref_slice %arg7[%dma_start3A_74] : memref<13312xi32, #tpu.memory_space<vmem>> -> memref<512xi32, #tpu.memory_space<vmem>>
    %dma_start3A_76 = tpu.memref_slice %arg4[%dma_start3A_73, %mul3A_2] : memref<26x16384xi32, #tpu.memory_space<hbm>> -> memref<1x512xi32, #tpu.memory_space<hbm>>
    %dma_start3A_77 = tpu.memref_squeeze %dma_start3A_76 : memref<1x512xi32, #tpu.memory_space<hbm>> -> memref<512xi32, #tpu.memory_space<hbm>>
    %dma_start3A_78 = arith.constant 3584 : i32
    %dma_start3A_79 = tpu.memref_slice %arg7[%dma_start3A_78] : memref<13312xi32, #tpu.memory_space<vmem>> -> memref<512xi32, #tpu.memory_space<vmem>>
    %dma_start3A_80 = tpu.memref_slice %arg4[%dma_start3A_73, %mul3A_2] : memref<26x16384xi32, #tpu.memory_space<hbm>> -> memref<1x512xi32, #tpu.memory_space<hbm>>
    %dma_start3A_81 = tpu.memref_squeeze %dma_start3A_80 : memref<1x512xi32, #tpu.memory_space<hbm>> -> memref<512xi32, #tpu.memory_space<hbm>>
    tpu.enqueue_dma source(%dma_start3A_81 : memref<512xi32, #tpu.memory_space<hbm>>) target(%dma_start3A_79 : memref<512xi32, #tpu.memory_space<vmem>>) target_semaphore(%arg13 : memref<!tpu.dma_semaphore, #tpu.memory_space<semaphore_mem>>)
    "tpu.region"() ({
      %run_scoped3A = tpu.sem_alloc : memref<!tpu.dma_semaphore, #tpu.memory_space<semaphore_mem>>
      tpu.enqueue_dma source(%arg5 : memref<16xf32, #tpu.memory_space<hbm>>) target(%arg10 : memref<16xf32, #tpu.memory_space<vmem>>) target_semaphore(%run_scoped3A : memref<!tpu.dma_semaphore, #tpu.memory_space<semaphore_mem>>)
      tpu.wait_dma2 semaphore(%run_scoped3A : memref<!tpu.dma_semaphore, #tpu.memory_space<semaphore_mem>>) src(%arg5 : memref<16xf32, #tpu.memory_space<hbm>>) dst(%arg10 : memref<16xf32, #tpu.memory_space<vmem>>)
      tpu.yield
    }) : () -> ()
    %dma_wait3A = tpu.memref_slice %arg11[%mul3A_6] : memref<1000448xf32, #tpu.memory_space<vmem_shared>> -> memref<62464xf32, #tpu.memory_space<vmem_shared>>
    %dma_wait3A_82 = tpu.memref_slice %arg2[%mul3A_4] : memref<999424xf32, #tpu.memory_space<hbm>> -> memref<62464xf32, #tpu.memory_space<hbm>>
    tpu.wait_dma2 semaphore(%arg16 : memref<!tpu.dma_semaphore, #tpu.memory_space<semaphore_mem>>) src(%dma_wait3A_82 : memref<62464xf32, #tpu.memory_space<hbm>>) dst(%dma_wait3A : memref<62464xf32, #tpu.memory_space<vmem_shared>>)
    %dma_wait3A_83 = arith.constant 999424 : i32
    %dma_wait3A_84 = tpu.memref_slice %arg11[%dma_wait3A_83] : memref<1000448xf32, #tpu.memory_space<vmem_shared>> -> memref<1024xf32, #tpu.memory_space<vmem_shared>>
    tpu.wait_dma2 semaphore(%arg16 : memref<!tpu.dma_semaphore, #tpu.memory_space<semaphore_mem>>) src(%arg3 : memref<1024xf32, #tpu.memory_space<hbm>>) dst(%dma_wait3A_84 : memref<1024xf32, #tpu.memory_space<vmem_shared>>)
    %barrier3A = arith.constant 0 : index
    tpu.barrier barrier_id(%barrier3A)
    %dma_wait3A_85 = arith.constant 0 : i32
    %dma_wait3A_86 = arith.constant 0 : i32
    %dma_wait3A_87 = tpu.memref_slice %arg7[%dma_wait3A_86] : memref<13312xi32, #tpu.memory_space<vmem>> -> memref<512xi32, #tpu.memory_space<vmem>>
    %dma_wait3A_88 = tpu.memref_slice %arg4[%dma_wait3A_85, %mul3A_2] : memref<26x16384xi32, #tpu.memory_space<hbm>> -> memref<1x512xi32, #tpu.memory_space<hbm>>
    %dma_wait3A_89 = tpu.memref_squeeze %dma_wait3A_88 : memref<1x512xi32, #tpu.memory_space<hbm>> -> memref<512xi32, #tpu.memory_space<hbm>>
    %dma_wait3A_90 = arith.constant 0 : i32
    %dma_wait3A_91 = tpu.memref_slice %arg7[%dma_wait3A_90] : memref<13312xi32, #tpu.memory_space<vmem>> -> memref<512xi32, #tpu.memory_space<vmem>>
    %dma_wait3A_92 = tpu.memref_slice %arg4[%dma_wait3A_85, %mul3A_2] : memref<26x16384xi32, #tpu.memory_space<hbm>> -> memref<1x512xi32, #tpu.memory_space<hbm>>
    %dma_wait3A_93 = tpu.memref_squeeze %dma_wait3A_92 : memref<1x512xi32, #tpu.memory_space<hbm>> -> memref<512xi32, #tpu.memory_space<hbm>>
    tpu.wait_dma2 semaphore(%arg12 : memref<!tpu.dma_semaphore, #tpu.memory_space<semaphore_mem>>) src(%dma_wait3A_93 : memref<512xi32, #tpu.memory_space<hbm>>) dst(%dma_wait3A_91 : memref<512xi32, #tpu.memory_space<vmem>>)
    %dma_wait3A_94 = arith.constant 1 : i32
    %dma_wait3A_95 = arith.constant 512 : i32
    %dma_wait3A_96 = tpu.memref_slice %arg7[%dma_wait3A_95] : memref<13312xi32, #tpu.memory_space<vmem>> -> memref<512xi32, #tpu.memory_space<vmem>>
    %dma_wait3A_97 = tpu.memref_slice %arg4[%dma_wait3A_94, %mul3A_2] : memref<26x16384xi32, #tpu.memory_space<hbm>> -> memref<1x512xi32, #tpu.memory_space<hbm>>
    %dma_wait3A_98 = tpu.memref_squeeze %dma_wait3A_97 : memref<1x512xi32, #tpu.memory_space<hbm>> -> memref<512xi32, #tpu.memory_space<hbm>>
    %dma_wait3A_99 = arith.constant 512 : i32
    %dma_wait3A_100 = tpu.memref_slice %arg7[%dma_wait3A_99] : memref<13312xi32, #tpu.memory_space<vmem>> -> memref<512xi32, #tpu.memory_space<vmem>>
    %dma_wait3A_101 = tpu.memref_slice %arg4[%dma_wait3A_94, %mul3A_2] : memref<26x16384xi32, #tpu.memory_space<hbm>> -> memref<1x512xi32, #tpu.memory_space<hbm>>
    %dma_wait3A_102 = tpu.memref_squeeze %dma_wait3A_101 : memref<1x512xi32, #tpu.memory_space<hbm>> -> memref<512xi32, #tpu.memory_space<hbm>>
    tpu.wait_dma2 semaphore(%arg12 : memref<!tpu.dma_semaphore, #tpu.memory_space<semaphore_mem>>) src(%dma_wait3A_102 : memref<512xi32, #tpu.memory_space<hbm>>) dst(%dma_wait3A_100 : memref<512xi32, #tpu.memory_space<vmem>>)
    %dma_start3A_103 = arith.constant 0 : i32
    %dma_start3A_104 = tpu.memref_slice %arg8[%dma_start3A_103] : memref<13312xf32, #tpu.memory_space<vmem>> -> memref<1024xf32, #tpu.memory_space<vmem>>
    %dma_start3A_105 = arith.constant 0 : i32
    %dma_start3A_106 = tpu.memref_slice %arg7[%dma_start3A_105] : memref<13312xi32, #tpu.memory_space<vmem>> -> memref<1024xi32, #tpu.memory_space<vmem>>
    %dma_start3A_107 = arith.constant 0 : i32
    %dma_start3A_108 = tpu.memref_slice %arg11[%dma_start3A_107] : memref<1000448xf32, #tpu.memory_space<vmem_shared>> -> memref<1000448xf32, #tpu.memory_space<vmem_shared>>
    tpu.enqueue_indirect_dma source(%dma_start3A_108 : memref<1000448xf32, #tpu.memory_space<vmem_shared>>) target(%dma_start3A_104 : memref<1024xf32, #tpu.memory_space<vmem>>) offsets(%dma_start3A_106 : memref<1024xi32, #tpu.memory_space<vmem>>) semaphore(%arg14 : memref<!tpu.dma_semaphore, #tpu.memory_space<semaphore_mem>>)
    %dma_wait3A_109 = arith.constant 2 : i32
    %dma_wait3A_110 = arith.constant 1024 : i32
    %dma_wait3A_111 = tpu.memref_slice %arg7[%dma_wait3A_110] : memref<13312xi32, #tpu.memory_space<vmem>> -> memref<512xi32, #tpu.memory_space<vmem>>
    %dma_wait3A_112 = tpu.memref_slice %arg4[%dma_wait3A_109, %mul3A_2] : memref<26x16384xi32, #tpu.memory_space<hbm>> -> memref<1x512xi32, #tpu.memory_space<hbm>>
    %dma_wait3A_113 = tpu.memref_squeeze %dma_wait3A_112 : memref<1x512xi32, #tpu.memory_space<hbm>> -> memref<512xi32, #tpu.memory_space<hbm>>
    %dma_wait3A_114 = arith.constant 1024 : i32
    %dma_wait3A_115 = tpu.memref_slice %arg7[%dma_wait3A_114] : memref<13312xi32, #tpu.memory_space<vmem>> -> memref<512xi32, #tpu.memory_space<vmem>>
    %dma_wait3A_116 = tpu.memref_slice %arg4[%dma_wait3A_109, %mul3A_2] : memref<26x16384xi32, #tpu.memory_space<hbm>> -> memref<1x512xi32, #tpu.memory_space<hbm>>
    %dma_wait3A_117 = tpu.memref_squeeze %dma_wait3A_116 : memref<1x512xi32, #tpu.memory_space<hbm>> -> memref<512xi32, #tpu.memory_space<hbm>>
    tpu.wait_dma2 semaphore(%arg13 : memref<!tpu.dma_semaphore, #tpu.memory_space<semaphore_mem>>) src(%dma_wait3A_117 : memref<512xi32, #tpu.memory_space<hbm>>) dst(%dma_wait3A_115 : memref<512xi32, #tpu.memory_space<vmem>>)
    %dma_wait3A_118 = arith.constant 3 : i32
    %dma_wait3A_119 = arith.constant 1536 : i32
    %dma_wait3A_120 = tpu.memref_slice %arg7[%dma_wait3A_119] : memref<13312xi32, #tpu.memory_space<vmem>> -> memref<512xi32, #tpu.memory_space<vmem>>
    %dma_wait3A_121 = tpu.memref_slice %arg4[%dma_wait3A_118, %mul3A_2] : memref<26x16384xi32, #tpu.memory_space<hbm>> -> memref<1x512xi32, #tpu.memory_space<hbm>>
    %dma_wait3A_122 = tpu.memref_squeeze %dma_wait3A_121 : memref<1x512xi32, #tpu.memory_space<hbm>> -> memref<512xi32, #tpu.memory_space<hbm>>
    %dma_wait3A_123 = arith.constant 1536 : i32
    %dma_wait3A_124 = tpu.memref_slice %arg7[%dma_wait3A_123] : memref<13312xi32, #tpu.memory_space<vmem>> -> memref<512xi32, #tpu.memory_space<vmem>>
    %dma_wait3A_125 = tpu.memref_slice %arg4[%dma_wait3A_118, %mul3A_2] : memref<26x16384xi32, #tpu.memory_space<hbm>> -> memref<1x512xi32, #tpu.memory_space<hbm>>
    %dma_wait3A_126 = tpu.memref_squeeze %dma_wait3A_125 : memref<1x512xi32, #tpu.memory_space<hbm>> -> memref<512xi32, #tpu.memory_space<hbm>>
    tpu.wait_dma2 semaphore(%arg13 : memref<!tpu.dma_semaphore, #tpu.memory_space<semaphore_mem>>) src(%dma_wait3A_126 : memref<512xi32, #tpu.memory_space<hbm>>) dst(%dma_wait3A_124 : memref<512xi32, #tpu.memory_space<vmem>>)
    %dma_start3A_127 = arith.constant 1024 : i32
    %dma_start3A_128 = tpu.memref_slice %arg8[%dma_start3A_127] : memref<13312xf32, #tpu.memory_space<vmem>> -> memref<1024xf32, #tpu.memory_space<vmem>>
    %dma_start3A_129 = arith.constant 1024 : i32
    %dma_start3A_130 = tpu.memref_slice %arg7[%dma_start3A_129] : memref<13312xi32, #tpu.memory_space<vmem>> -> memref<1024xi32, #tpu.memory_space<vmem>>
    %dma_start3A_131 = arith.constant 0 : i32
    %dma_start3A_132 = tpu.memref_slice %arg11[%dma_start3A_131] : memref<1000448xf32, #tpu.memory_space<vmem_shared>> -> memref<1000448xf32, #tpu.memory_space<vmem_shared>>
    tpu.enqueue_indirect_dma source(%dma_start3A_132 : memref<1000448xf32, #tpu.memory_space<vmem_shared>>) target(%dma_start3A_128 : memref<1024xf32, #tpu.memory_space<vmem>>) offsets(%dma_start3A_130 : memref<1024xi32, #tpu.memory_space<vmem>>) semaphore(%arg15 : memref<!tpu.dma_semaphore, #tpu.memory_space<semaphore_mem>>)
    %get3A = arith.constant 0 : index
    %get3A_133 = tpu.vector_load %arg10[%get3A] {strides = array<i32>} : memref<16xf32, #tpu.memory_space<vmem>>, vector<16xf32>,
    %get3A_134 = vector.shape_cast %get3A_133 : vector<16xf32> to vector<16xf32>
    %dma_wait3A_135 = arith.constant 0 : i32
    %dma_wait3A_136 = tpu.memref_slice %arg8[%dma_wait3A_135] : memref<13312xf32, #tpu.memory_space<vmem>> -> memref<1024xf32, #tpu.memory_space<vmem>>
    %dma_wait3A_137 = arith.constant 0 : i32
    %dma_wait3A_138 = tpu.memref_slice %arg7[%dma_wait3A_137] : memref<13312xi32, #tpu.memory_space<vmem>> -> memref<1024xi32, #tpu.memory_space<vmem>>
    %dma_wait3A_139 = arith.constant 0 : i32
    %dma_wait3A_140 = tpu.memref_slice %arg11[%dma_wait3A_139] : memref<1000448xf32, #tpu.memory_space<vmem_shared>> -> memref<1000448xf32, #tpu.memory_space<vmem_shared>>
    tpu.wait_indirect_dma semaphore(%arg14 : memref<!tpu.dma_semaphore, #tpu.memory_space<semaphore_mem>>) src(%dma_wait3A_140 : memref<1000448xf32, #tpu.memory_space<vmem_shared>>) dst(%dma_wait3A_136 : memref<1024xf32, #tpu.memory_space<vmem>>)
    %dma_wait3A_141 = arith.constant 4 : i32
    %dma_wait3A_142 = arith.constant 2048 : i32
    %dma_wait3A_143 = tpu.memref_slice %arg7[%dma_wait3A_142] : memref<13312xi32, #tpu.memory_space<vmem>> -> memref<512xi32, #tpu.memory_space<vmem>>
    %dma_wait3A_144 = tpu.memref_slice %arg4[%dma_wait3A_141, %mul3A_2] : memref<26x16384xi32, #tpu.memory_space<hbm>> -> memref<1x512xi32, #tpu.memory_space<hbm>>
    %dma_wait3A_145 = tpu.memref_squeeze %dma_wait3A_144 : memref<1x512xi32, #tpu.memory_space<hbm>> -> memref<512xi32, #tpu.memory_space<hbm>>
    %dma_wait3A_146 = arith.constant 2048 : i32
    %dma_wait3A_147 = tpu.memref_slice %arg7[%dma_wait3A_146] : memref<13312xi32, #tpu.memory_space<vmem>> -> memref<512xi32, #tpu.memory_space<vmem>>
    %dma_wait3A_148 = tpu.memref_slice %arg4[%dma_wait3A_141, %mul3A_2] : memref<26x16384xi32, #tpu.memory_space<hbm>> -> memref<1x512xi32, #tpu.memory_space<hbm>>
    %dma_wait3A_149 = tpu.memref_squeeze %dma_wait3A_148 : memref<1x512xi32, #tpu.memory_space<hbm>> -> memref<512xi32, #tpu.memory_space<hbm>>
    tpu.wait_dma2 semaphore(%arg12 : memref<!tpu.dma_semaphore, #tpu.memory_space<semaphore_mem>>) src(%dma_wait3A_149 : memref<512xi32, #tpu.memory_space<hbm>>) dst(%dma_wait3A_147 : memref<512xi32, #tpu.memory_space<vmem>>)
    %dma_wait3A_150 = arith.constant 5 : i32
    %dma_wait3A_151 = arith.constant 2560 : i32
    %dma_wait3A_152 = tpu.memref_slice %arg7[%dma_wait3A_151] : memref<13312xi32, #tpu.memory_space<vmem>> -> memref<512xi32, #tpu.memory_space<vmem>>
    %dma_wait3A_153 = tpu.memref_slice %arg4[%dma_wait3A_150, %mul3A_2] : memref<26x16384xi32, #tpu.memory_space<hbm>> -> memref<1x512xi32, #tpu.memory_space<hbm>>
    %dma_wait3A_154 = tpu.memref_squeeze %dma_wait3A_153 : memref<1x512xi32, #tpu.memory_space<hbm>> -> memref<512xi32, #tpu.memory_space<hbm>>
    %dma_wait3A_155 = arith.constant 2560 : i32
    %dma_wait3A_156 = tpu.memref_slice %arg7[%dma_wait3A_155] : memref<13312xi32, #tpu.memory_space<vmem>> -> memref<512xi32, #tpu.memory_space<vmem>>
    %dma_wait3A_157 = tpu.memref_slice %arg4[%dma_wait3A_150, %mul3A_2] : memref<26x16384xi32, #tpu.memory_space<hbm>> -> memref<1x512xi32, #tpu.memory_space<hbm>>
    %dma_wait3A_158 = tpu.memref_squeeze %dma_wait3A_157 : memref<1x512xi32, #tpu.memory_space<hbm>> -> memref<512xi32, #tpu.memory_space<hbm>>
    tpu.wait_dma2 semaphore(%arg12 : memref<!tpu.dma_semaphore, #tpu.memory_space<semaphore_mem>>) src(%dma_wait3A_158 : memref<512xi32, #tpu.memory_space<hbm>>) dst(%dma_wait3A_156 : memref<512xi32, #tpu.memory_space<vmem>>)
    %dma_start3A_159 = arith.constant 2048 : i32
    %dma_start3A_160 = tpu.memref_slice %arg8[%dma_start3A_159] : memref<13312xf32, #tpu.memory_space<vmem>> -> memref<1024xf32, #tpu.memory_space<vmem>>
    %dma_start3A_161 = arith.constant 2048 : i32
    %dma_start3A_162 = tpu.memref_slice %arg7[%dma_start3A_161] : memref<13312xi32, #tpu.memory_space<vmem>> -> memref<1024xi32, #tpu.memory_space<vmem>>
    %dma_start3A_163 = arith.constant 0 : i32
    %dma_start3A_164 = tpu.memref_slice %arg11[%dma_start3A_163] : memref<1000448xf32, #tpu.memory_space<vmem_shared>> -> memref<1000448xf32, #tpu.memory_space<vmem_shared>>
    tpu.enqueue_indirect_dma source(%dma_start3A_164 : memref<1000448xf32, #tpu.memory_space<vmem_shared>>) target(%dma_start3A_160 : memref<1024xf32, #tpu.memory_space<vmem>>) offsets(%dma_start3A_162 : memref<1024xi32, #tpu.memory_space<vmem>>) semaphore(%arg14 : memref<!tpu.dma_semaphore, #tpu.memory_space<semaphore_mem>>)
    %dma_start3A_165 = arith.constant 8 : i32
    %dma_start3A_166 = arith.constant 4096 : i32
    %dma_start3A_167 = tpu.memref_slice %arg7[%dma_start3A_166] : memref<13312xi32, #tpu.memory_space<vmem>> -> memref<512xi32, #tpu.memory_space<vmem>>
    %dma_start3A_168 = tpu.memref_slice %arg4[%dma_start3A_165, %mul3A_2] : memref<26x16384xi32, #tpu.memory_space<hbm>> -> memref<1x512xi32, #tpu.memory_space<hbm>>
    %dma_start3A_169 = tpu.memref_squeeze %dma_start3A_168 : memref<1x512xi32, #tpu.memory_space<hbm>> -> memref<512xi32, #tpu.memory_space<hbm>>
    %dma_start3A_170 = arith.constant 4096 : i32
    %dma_start3A_171 = tpu.memref_slice %arg7[%dma_start3A_170] : memref<13312xi32, #tpu.memory_space<vmem>> -> memref<512xi32, #tpu.memory_space<vmem>>
    %dma_start3A_172 = tpu.memref_slice %arg4[%dma_start3A_165, %mul3A_2] : memref<26x16384xi32, #tpu.memory_space<hbm>> -> memref<1x512xi32, #tpu.memory_space<hbm>>
    %dma_start3A_173 = tpu.memref_squeeze %dma_start3A_172 : memref<1x512xi32, #tpu.memory_space<hbm>> -> memref<512xi32, #tpu.memory_space<hbm>>
    tpu.enqueue_dma source(%dma_start3A_173 : memref<512xi32, #tpu.memory_space<hbm>>) target(%dma_start3A_171 : memref<512xi32, #tpu.memory_space<vmem>>) target_semaphore(%arg12 : memref<!tpu.dma_semaphore, #tpu.memory_space<semaphore_mem>>)
    %dma_start3A_174 = arith.constant 9 : i32
    %dma_start3A_175 = arith.constant 4608 : i32
    %dma_start3A_176 = tpu.memref_slice %arg7[%dma_start3A_175] : memref<13312xi32, #tpu.memory_space<vmem>> -> memref<512xi32, #tpu.memory_space<vmem>>
    %dma_start3A_177 = tpu.memref_slice %arg4[%dma_start3A_174, %mul3A_2] : memref<26x16384xi32, #tpu.memory_space<hbm>> -> memref<1x512xi32, #tpu.memory_space<hbm>>
    %dma_start3A_178 = tpu.memref_squeeze %dma_start3A_177 : memref<1x512xi32, #tpu.memory_space<hbm>> -> memref<512xi32, #tpu.memory_space<hbm>>
    %dma_start3A_179 = arith.constant 4608 : i32
    %dma_start3A_180 = tpu.memref_slice %arg7[%dma_start3A_179] : memref<13312xi32, #tpu.memory_space<vmem>> -> memref<512xi32, #tpu.memory_space<vmem>>
    %dma_start3A_181 = tpu.memref_slice %arg4[%dma_start3A_174, %mul3A_2] : memref<26x16384xi32, #tpu.memory_space<hbm>> -> memref<1x512xi32, #tpu.memory_space<hbm>>
    %dma_start3A_182 = tpu.memref_squeeze %dma_start3A_181 : memref<1x512xi32, #tpu.memory_space<hbm>> -> memref<512xi32, #tpu.memory_space<hbm>>
    tpu.enqueue_dma source(%dma_start3A_182 : memref<512xi32, #tpu.memory_space<hbm>>) target(%dma_start3A_180 : memref<512xi32, #tpu.memory_space<vmem>>) target_semaphore(%arg12 : memref<!tpu.dma_semaphore, #tpu.memory_space<semaphore_mem>>)
    %scan3A = arith.constant 0 : i32
    %scan3A_183 = arith.constant 32 : i32
    %scan3A_184 = arith.addi %scan3A, %scan3A_183 : i32
    %scan3A_185 = arith.constant 1 : i32
    scf.for %scan3A_703 = %scan3A to %scan3A_184 step %scan3A_185  : i32 {
      %mul3A_704 = arith.constant 16 : i32
      %mul3A_705 = arith.muli %scan3A_703, %mul3A_704 : i32
      %add3A_706 = arith.constant 0 : i32
      %add3A_707 = arith.addi %add3A_706, %mul3A_705 : i32
      %get3A_708 = arith.index_cast %add3A_707 : i32 to index
      %get3A_709 = tpu.vector_load %arg8[%get3A_708] {strides = array<i32>} : memref<13312xf32, #tpu.memory_space<vmem>>, vector<16xf32>,
      %get3A_710 = vector.shape_cast %get3A_709 : vector<16xf32> to vector<16xf32>
      %add3A_711 = arith.addf %get3A_134, %get3A_710 : vector<16xf32>
      %add3A_712 = arith.constant 512 : i32
      %add3A_713 = arith.addi %add3A_712, %mul3A_705 : i32
      %get3A_714 = arith.index_cast %add3A_713 : i32 to index
      %get3A_715 = tpu.vector_load %arg8[%get3A_714] {strides = array<i32>} : memref<13312xf32, #tpu.memory_space<vmem>>, vector<16xf32>,
      %get3A_716 = vector.shape_cast %get3A_715 : vector<16xf32> to vector<16xf32>
      %add3A_717 = arith.addf %add3A_711, %get3A_716 : vector<16xf32>
      %swap3A = arith.index_cast %mul3A_705 : i32 to index
      %swap3A_718 = tpu.vector_load %arg9[%swap3A] {strides = array<i32>} : memref<512xf32, #tpu.memory_space<vmem>>, vector<16xf32>,
      %swap3A_719 = vector.shape_cast %swap3A_718 : vector<16xf32> to vector<16xf32>
      %swap3A_720 = vector.shape_cast %add3A_717 : vector<16xf32> to vector<16xf32>
      tpu.vector_store %arg9[%swap3A], %swap3A_720 {strides = array<i32>} : memref<512xf32, #tpu.memory_space<vmem>>, vector<16xf32>,
    }
    %scan3A_186 = arith.constant 32 : i32
    %dma_wait3A_187 = arith.constant 1024 : i32
    %dma_wait3A_188 = tpu.memref_slice %arg8[%dma_wait3A_187] : memref<13312xf32, #tpu.memory_space<vmem>> -> memref<1024xf32, #tpu.memory_space<vmem>>
    %dma_wait3A_189 = arith.constant 1024 : i32
    %dma_wait3A_190 = tpu.memref_slice %arg7[%dma_wait3A_189] : memref<13312xi32, #tpu.memory_space<vmem>> -> memref<1024xi32, #tpu.memory_space<vmem>>
    %dma_wait3A_191 = arith.constant 0 : i32
    %dma_wait3A_192 = tpu.memref_slice %arg11[%dma_wait3A_191] : memref<1000448xf32, #tpu.memory_space<vmem_shared>> -> memref<1000448xf32, #tpu.memory_space<vmem_shared>>
    tpu.wait_indirect_dma semaphore(%arg15 : memref<!tpu.dma_semaphore, #tpu.memory_space<semaphore_mem>>) src(%dma_wait3A_192 : memref<1000448xf32, #tpu.memory_space<vmem_shared>>) dst(%dma_wait3A_188 : memref<1024xf32, #tpu.memory_space<vmem>>)
    %dma_wait3A_193 = arith.constant 6 : i32
    %dma_wait3A_194 = arith.constant 3072 : i32
    %dma_wait3A_195 = tpu.memref_slice %arg7[%dma_wait3A_194] : memref<13312xi32, #tpu.memory_space<vmem>> -> memref<512xi32, #tpu.memory_space<vmem>>
    %dma_wait3A_196 = tpu.memref_slice %arg4[%dma_wait3A_193, %mul3A_2] : memref<26x16384xi32, #tpu.memory_space<hbm>> -> memref<1x512xi32, #tpu.memory_space<hbm>>
    %dma_wait3A_197 = tpu.memref_squeeze %dma_wait3A_196 : memref<1x512xi32, #tpu.memory_space<hbm>> -> memref<512xi32, #tpu.memory_space<hbm>>
    %dma_wait3A_198 = arith.constant 3072 : i32
    %dma_wait3A_199 = tpu.memref_slice %arg7[%dma_wait3A_198] : memref<13312xi32, #tpu.memory_space<vmem>> -> memref<512xi32, #tpu.memory_space<vmem>>
    %dma_wait3A_200 = tpu.memref_slice %arg4[%dma_wait3A_193, %mul3A_2] : memref<26x16384xi32, #tpu.memory_space<hbm>> -> memref<1x512xi32, #tpu.memory_space<hbm>>
    %dma_wait3A_201 = tpu.memref_squeeze %dma_wait3A_200 : memref<1x512xi32, #tpu.memory_space<hbm>> -> memref<512xi32, #tpu.memory_space<hbm>>
    tpu.wait_dma2 semaphore(%arg13 : memref<!tpu.dma_semaphore, #tpu.memory_space<semaphore_mem>>) src(%dma_wait3A_201 : memref<512xi32, #tpu.memory_space<hbm>>) dst(%dma_wait3A_199 : memref<512xi32, #tpu.memory_space<vmem>>)
    %dma_wait3A_202 = arith.constant 7 : i32
    %dma_wait3A_203 = arith.constant 3584 : i32
    %dma_wait3A_204 = tpu.memref_slice %arg7[%dma_wait3A_203] : memref<13312xi32, #tpu.memory_space<vmem>> -> memref<512xi32, #tpu.memory_space<vmem>>
    %dma_wait3A_205 = tpu.memref_slice %arg4[%dma_wait3A_202, %mul3A_2] : memref<26x16384xi32, #tpu.memory_space<hbm>> -> memref<1x512xi32, #tpu.memory_space<hbm>>
    %dma_wait3A_206 = tpu.memref_squeeze %dma_wait3A_205 : memref<1x512xi32, #tpu.memory_space<hbm>> -> memref<512xi32, #tpu.memory_space<hbm>>
    %dma_wait3A_207 = arith.constant 3584 : i32
    %dma_wait3A_208 = tpu.memref_slice %arg7[%dma_wait3A_207] : memref<13312xi32, #tpu.memory_space<vmem>> -> memref<512xi32, #tpu.memory_space<vmem>>
    %dma_wait3A_209 = tpu.memref_slice %arg4[%dma_wait3A_202, %mul3A_2] : memref<26x16384xi32, #tpu.memory_space<hbm>> -> memref<1x512xi32, #tpu.memory_space<hbm>>
    %dma_wait3A_210 = tpu.memref_squeeze %dma_wait3A_209 : memref<1x512xi32, #tpu.memory_space<hbm>> -> memref<512xi32, #tpu.memory_space<hbm>>
    tpu.wait_dma2 semaphore(%arg13 : memref<!tpu.dma_semaphore, #tpu.memory_space<semaphore_mem>>) src(%dma_wait3A_210 : memref<512xi32, #tpu.memory_space<hbm>>) dst(%dma_wait3A_208 : memref<512xi32, #tpu.memory_space<vmem>>)
    %dma_start3A_211 = arith.constant 3072 : i32
    %dma_start3A_212 = tpu.memref_slice %arg8[%dma_start3A_211] : memref<13312xf32, #tpu.memory_space<vmem>> -> memref<1024xf32, #tpu.memory_space<vmem>>
    %dma_start3A_213 = arith.constant 3072 : i32
    %dma_start3A_214 = tpu.memref_slice %arg7[%dma_start3A_213] : memref<13312xi32, #tpu.memory_space<vmem>> -> memref<1024xi32, #tpu.memory_space<vmem>>
    %dma_start3A_215 = arith.constant 0 : i32
    %dma_start3A_216 = tpu.memref_slice %arg11[%dma_start3A_215] : memref<1000448xf32, #tpu.memory_space<vmem_shared>> -> memref<1000448xf32, #tpu.memory_space<vmem_shared>>
    tpu.enqueue_indirect_dma source(%dma_start3A_216 : memref<1000448xf32, #tpu.memory_space<vmem_shared>>) target(%dma_start3A_212 : memref<1024xf32, #tpu.memory_space<vmem>>) offsets(%dma_start3A_214 : memref<1024xi32, #tpu.memory_space<vmem>>) semaphore(%arg15 : memref<!tpu.dma_semaphore, #tpu.memory_space<semaphore_mem>>)
    %dma_start3A_217 = arith.constant 10 : i32
    %dma_start3A_218 = arith.constant 5120 : i32
    %dma_start3A_219 = tpu.memref_slice %arg7[%dma_start3A_218] : memref<13312xi32, #tpu.memory_space<vmem>> -> memref<512xi32, #tpu.memory_space<vmem>>
    %dma_start3A_220 = tpu.memref_slice %arg4[%dma_start3A_217, %mul3A_2] : memref<26x16384xi32, #tpu.memory_space<hbm>> -> memref<1x512xi32, #tpu.memory_space<hbm>>
    %dma_start3A_221 = tpu.memref_squeeze %dma_start3A_220 : memref<1x512xi32, #tpu.memory_space<hbm>> -> memref<512xi32, #tpu.memory_space<hbm>>
    %dma_start3A_222 = arith.constant 5120 : i32
    %dma_start3A_223 = tpu.memref_slice %arg7[%dma_start3A_222] : memref<13312xi32, #tpu.memory_space<vmem>> -> memref<512xi32, #tpu.memory_space<vmem>>
    %dma_start3A_224 = tpu.memref_slice %arg4[%dma_start3A_217, %mul3A_2] : memref<26x16384xi32, #tpu.memory_space<hbm>> -> memref<1x512xi32, #tpu.memory_space<hbm>>
    %dma_start3A_225 = tpu.memref_squeeze %dma_start3A_224 : memref<1x512xi32, #tpu.memory_space<hbm>> -> memref<512xi32, #tpu.memory_space<hbm>>
    tpu.enqueue_dma source(%dma_start3A_225 : memref<512xi32, #tpu.memory_space<hbm>>) target(%dma_start3A_223 : memref<512xi32, #tpu.memory_space<vmem>>) target_semaphore(%arg13 : memref<!tpu.dma_semaphore, #tpu.memory_space<semaphore_mem>>)
    %dma_start3A_226 = arith.constant 11 : i32
    %dma_start3A_227 = arith.constant 5632 : i32
    %dma_start3A_228 = tpu.memref_slice %arg7[%dma_start3A_227] : memref<13312xi32, #tpu.memory_space<vmem>> -> memref<512xi32, #tpu.memory_space<vmem>>
    %dma_start3A_229 = tpu.memref_slice %arg4[%dma_start3A_226, %mul3A_2] : memref<26x16384xi32, #tpu.memory_space<hbm>> -> memref<1x512xi32, #tpu.memory_space<hbm>>
    %dma_start3A_230 = tpu.memref_squeeze %dma_start3A_229 : memref<1x512xi32, #tpu.memory_space<hbm>> -> memref<512xi32, #tpu.memory_space<hbm>>
    %dma_start3A_231 = arith.constant 5632 : i32
    %dma_start3A_232 = tpu.memref_slice %arg7[%dma_start3A_231] : memref<13312xi32, #tpu.memory_space<vmem>> -> memref<512xi32, #tpu.memory_space<vmem>>
    %dma_start3A_233 = tpu.memref_slice %arg4[%dma_start3A_226, %mul3A_2] : memref<26x16384xi32, #tpu.memory_space<hbm>> -> memref<1x512xi32, #tpu.memory_space<hbm>>
    %dma_start3A_234 = tpu.memref_squeeze %dma_start3A_233 : memref<1x512xi32, #tpu.memory_space<hbm>> -> memref<512xi32, #tpu.memory_space<hbm>>
    tpu.enqueue_dma source(%dma_start3A_234 : memref<512xi32, #tpu.memory_space<hbm>>) target(%dma_start3A_232 : memref<512xi32, #tpu.memory_space<vmem>>) target_semaphore(%arg13 : memref<!tpu.dma_semaphore, #tpu.memory_space<semaphore_mem>>)
    %scan3A_235 = arith.constant 0 : i32
    %scan3A_236 = arith.constant 32 : i32
    %scan3A_237 = arith.addi %scan3A_235, %scan3A_236 : i32
    %scan3A_238 = arith.constant 1 : i32
    scf.for %scan3A_703 = %scan3A_235 to %scan3A_237 step %scan3A_238  : i32 {
      %mul3A_704 = arith.constant 16 : i32
      %mul3A_705 = arith.muli %scan3A_703, %mul3A_704 : i32
      %get3A_706 = arith.index_cast %mul3A_705 : i32 to index
      %get3A_707 = tpu.vector_load %arg9[%get3A_706] {strides = array<i32>} : memref<512xf32, #tpu.memory_space<vmem>>, vector<16xf32>,
      %get3A_708 = vector.shape_cast %get3A_707 : vector<16xf32> to vector<16xf32>
      %add3A_709 = arith.constant 1024 : i32
      %add3A_710 = arith.addi %add3A_709, %mul3A_705 : i32
      %get3A_711 = arith.index_cast %add3A_710 : i32 to index
      %get3A_712 = tpu.vector_load %arg8[%get3A_711] {strides = array<i32>} : memref<13312xf32, #tpu.memory_space<vmem>>, vector<16xf32>,
      %get3A_713 = vector.shape_cast %get3A_712 : vector<16xf32> to vector<16xf32>
      %add3A_714 = arith.addf %get3A_708, %get3A_713 : vector<16xf32>
      %add3A_715 = arith.constant 1536 : i32
      %add3A_716 = arith.addi %add3A_715, %mul3A_705 : i32
      %get3A_717 = arith.index_cast %add3A_716 : i32 to index
      %get3A_718 = tpu.vector_load %arg8[%get3A_717] {strides = array<i32>} : memref<13312xf32, #tpu.memory_space<vmem>>, vector<16xf32>,
      %get3A_719 = vector.shape_cast %get3A_718 : vector<16xf32> to vector<16xf32>
      %add3A_720 = arith.addf %add3A_714, %get3A_719 : vector<16xf32>
      %swap3A = arith.index_cast %mul3A_705 : i32 to index
      %swap3A_721 = tpu.vector_load %arg9[%swap3A] {strides = array<i32>} : memref<512xf32, #tpu.memory_space<vmem>>, vector<16xf32>,
      %swap3A_722 = vector.shape_cast %swap3A_721 : vector<16xf32> to vector<16xf32>
      %swap3A_723 = vector.shape_cast %add3A_720 : vector<16xf32> to vector<16xf32>
      tpu.vector_store %arg9[%swap3A], %swap3A_723 {strides = array<i32>} : memref<512xf32, #tpu.memory_space<vmem>>, vector<16xf32>,
    }
    %scan3A_239 = arith.constant 32 : i32
    %dma_wait3A_240 = arith.constant 2048 : i32
    %dma_wait3A_241 = tpu.memref_slice %arg8[%dma_wait3A_240] : memref<13312xf32, #tpu.memory_space<vmem>> -> memref<1024xf32, #tpu.memory_space<vmem>>
    %dma_wait3A_242 = arith.constant 2048 : i32
    %dma_wait3A_243 = tpu.memref_slice %arg7[%dma_wait3A_242] : memref<13312xi32, #tpu.memory_space<vmem>> -> memref<1024xi32, #tpu.memory_space<vmem>>
    %dma_wait3A_244 = arith.constant 0 : i32
    %dma_wait3A_245 = tpu.memref_slice %arg11[%dma_wait3A_244] : memref<1000448xf32, #tpu.memory_space<vmem_shared>> -> memref<1000448xf32, #tpu.memory_space<vmem_shared>>
    tpu.wait_indirect_dma semaphore(%arg14 : memref<!tpu.dma_semaphore, #tpu.memory_space<semaphore_mem>>) src(%dma_wait3A_245 : memref<1000448xf32, #tpu.memory_space<vmem_shared>>) dst(%dma_wait3A_241 : memref<1024xf32, #tpu.memory_space<vmem>>)
    %dma_wait3A_246 = arith.constant 8 : i32
    %dma_wait3A_247 = arith.constant 4096 : i32
    %dma_wait3A_248 = tpu.memref_slice %arg7[%dma_wait3A_247] : memref<13312xi32, #tpu.memory_space<vmem>> -> memref<512xi32, #tpu.memory_space<vmem>>
    %dma_wait3A_249 = tpu.memref_slice %arg4[%dma_wait3A_246, %mul3A_2] : memref<26x16384xi32, #tpu.memory_space<hbm>> -> memref<1x512xi32, #tpu.memory_space<hbm>>
    %dma_wait3A_250 = tpu.memref_squeeze %dma_wait3A_249 : memref<1x512xi32, #tpu.memory_space<hbm>> -> memref<512xi32, #tpu.memory_space<hbm>>
    %dma_wait3A_251 = arith.constant 4096 : i32
    %dma_wait3A_252 = tpu.memref_slice %arg7[%dma_wait3A_251] : memref<13312xi32, #tpu.memory_space<vmem>> -> memref<512xi32, #tpu.memory_space<vmem>>
    %dma_wait3A_253 = tpu.memref_slice %arg4[%dma_wait3A_246, %mul3A_2] : memref<26x16384xi32, #tpu.memory_space<hbm>> -> memref<1x512xi32, #tpu.memory_space<hbm>>
    %dma_wait3A_254 = tpu.memref_squeeze %dma_wait3A_253 : memref<1x512xi32, #tpu.memory_space<hbm>> -> memref<512xi32, #tpu.memory_space<hbm>>
    tpu.wait_dma2 semaphore(%arg12 : memref<!tpu.dma_semaphore, #tpu.memory_space<semaphore_mem>>) src(%dma_wait3A_254 : memref<512xi32, #tpu.memory_space<hbm>>) dst(%dma_wait3A_252 : memref<512xi32, #tpu.memory_space<vmem>>)
    %dma_wait3A_255 = arith.constant 9 : i32
    %dma_wait3A_256 = arith.constant 4608 : i32
    %dma_wait3A_257 = tpu.memref_slice %arg7[%dma_wait3A_256] : memref<13312xi32, #tpu.memory_space<vmem>> -> memref<512xi32, #tpu.memory_space<vmem>>
    %dma_wait3A_258 = tpu.memref_slice %arg4[%dma_wait3A_255, %mul3A_2] : memref<26x16384xi32, #tpu.memory_space<hbm>> -> memref<1x512xi32, #tpu.memory_space<hbm>>
    %dma_wait3A_259 = tpu.memref_squeeze %dma_wait3A_258 : memref<1x512xi32, #tpu.memory_space<hbm>> -> memref<512xi32, #tpu.memory_space<hbm>>
    %dma_wait3A_260 = arith.constant 4608 : i32
    %dma_wait3A_261 = tpu.memref_slice %arg7[%dma_wait3A_260] : memref<13312xi32, #tpu.memory_space<vmem>> -> memref<512xi32, #tpu.memory_space<vmem>>
    %dma_wait3A_262 = tpu.memref_slice %arg4[%dma_wait3A_255, %mul3A_2] : memref<26x16384xi32, #tpu.memory_space<hbm>> -> memref<1x512xi32, #tpu.memory_space<hbm>>
    %dma_wait3A_263 = tpu.memref_squeeze %dma_wait3A_262 : memref<1x512xi32, #tpu.memory_space<hbm>> -> memref<512xi32, #tpu.memory_space<hbm>>
    tpu.wait_dma2 semaphore(%arg12 : memref<!tpu.dma_semaphore, #tpu.memory_space<semaphore_mem>>) src(%dma_wait3A_263 : memref<512xi32, #tpu.memory_space<hbm>>) dst(%dma_wait3A_261 : memref<512xi32, #tpu.memory_space<vmem>>)
    %dma_start3A_264 = arith.constant 4096 : i32
    %dma_start3A_265 = tpu.memref_slice %arg8[%dma_start3A_264] : memref<13312xf32, #tpu.memory_space<vmem>> -> memref<1024xf32, #tpu.memory_space<vmem>>
    %dma_start3A_266 = arith.constant 4096 : i32
    %dma_start3A_267 = tpu.memref_slice %arg7[%dma_start3A_266] : memref<13312xi32, #tpu.memory_space<vmem>> -> memref<1024xi32, #tpu.memory_space<vmem>>
    %dma_start3A_268 = arith.constant 0 : i32
    %dma_start3A_269 = tpu.memref_slice %arg11[%dma_start3A_268] : memref<1000448xf32, #tpu.memory_space<vmem_shared>> -> memref<1000448xf32, #tpu.memory_space<vmem_shared>>
    tpu.enqueue_indirect_dma source(%dma_start3A_269 : memref<1000448xf32, #tpu.memory_space<vmem_shared>>) target(%dma_start3A_265 : memref<1024xf32, #tpu.memory_space<vmem>>) offsets(%dma_start3A_267 : memref<1024xi32, #tpu.memory_space<vmem>>) semaphore(%arg14 : memref<!tpu.dma_semaphore, #tpu.memory_space<semaphore_mem>>)
    %dma_start3A_270 = arith.constant 12 : i32
    %dma_start3A_271 = arith.constant 6144 : i32
    %dma_start3A_272 = tpu.memref_slice %arg7[%dma_start3A_271] : memref<13312xi32, #tpu.memory_space<vmem>> -> memref<512xi32, #tpu.memory_space<vmem>>
    %dma_start3A_273 = tpu.memref_slice %arg4[%dma_start3A_270, %mul3A_2] : memref<26x16384xi32, #tpu.memory_space<hbm>> -> memref<1x512xi32, #tpu.memory_space<hbm>>
    %dma_start3A_274 = tpu.memref_squeeze %dma_start3A_273 : memref<1x512xi32, #tpu.memory_space<hbm>> -> memref<512xi32, #tpu.memory_space<hbm>>
    %dma_start3A_275 = arith.constant 6144 : i32
    %dma_start3A_276 = tpu.memref_slice %arg7[%dma_start3A_275] : memref<13312xi32, #tpu.memory_space<vmem>> -> memref<512xi32, #tpu.memory_space<vmem>>
    %dma_start3A_277 = tpu.memref_slice %arg4[%dma_start3A_270, %mul3A_2] : memref<26x16384xi32, #tpu.memory_space<hbm>> -> memref<1x512xi32, #tpu.memory_space<hbm>>
    %dma_start3A_278 = tpu.memref_squeeze %dma_start3A_277 : memref<1x512xi32, #tpu.memory_space<hbm>> -> memref<512xi32, #tpu.memory_space<hbm>>
    tpu.enqueue_dma source(%dma_start3A_278 : memref<512xi32, #tpu.memory_space<hbm>>) target(%dma_start3A_276 : memref<512xi32, #tpu.memory_space<vmem>>) target_semaphore(%arg12 : memref<!tpu.dma_semaphore, #tpu.memory_space<semaphore_mem>>)
    %dma_start3A_279 = arith.constant 13 : i32
    %dma_start3A_280 = arith.constant 6656 : i32
    %dma_start3A_281 = tpu.memref_slice %arg7[%dma_start3A_280] : memref<13312xi32, #tpu.memory_space<vmem>> -> memref<512xi32, #tpu.memory_space<vmem>>
    %dma_start3A_282 = tpu.memref_slice %arg4[%dma_start3A_279, %mul3A_2] : memref<26x16384xi32, #tpu.memory_space<hbm>> -> memref<1x512xi32, #tpu.memory_space<hbm>>
    %dma_start3A_283 = tpu.memref_squeeze %dma_start3A_282 : memref<1x512xi32, #tpu.memory_space<hbm>> -> memref<512xi32, #tpu.memory_space<hbm>>
    %dma_start3A_284 = arith.constant 6656 : i32
    %dma_start3A_285 = tpu.memref_slice %arg7[%dma_start3A_284] : memref<13312xi32, #tpu.memory_space<vmem>> -> memref<512xi32, #tpu.memory_space<vmem>>
    %dma_start3A_286 = tpu.memref_slice %arg4[%dma_start3A_279, %mul3A_2] : memref<26x16384xi32, #tpu.memory_space<hbm>> -> memref<1x512xi32, #tpu.memory_space<hbm>>
    %dma_start3A_287 = tpu.memref_squeeze %dma_start3A_286 : memref<1x512xi32, #tpu.memory_space<hbm>> -> memref<512xi32, #tpu.memory_space<hbm>>
    tpu.enqueue_dma source(%dma_start3A_287 : memref<512xi32, #tpu.memory_space<hbm>>) target(%dma_start3A_285 : memref<512xi32, #tpu.memory_space<vmem>>) target_semaphore(%arg12 : memref<!tpu.dma_semaphore, #tpu.memory_space<semaphore_mem>>)
    %scan3A_288 = arith.constant 0 : i32
    %scan3A_289 = arith.constant 32 : i32
    %scan3A_290 = arith.addi %scan3A_288, %scan3A_289 : i32
    %scan3A_291 = arith.constant 1 : i32
    scf.for %scan3A_703 = %scan3A_288 to %scan3A_290 step %scan3A_291  : i32 {
      %mul3A_704 = arith.constant 16 : i32
      %mul3A_705 = arith.muli %scan3A_703, %mul3A_704 : i32
      %get3A_706 = arith.index_cast %mul3A_705 : i32 to index
      %get3A_707 = tpu.vector_load %arg9[%get3A_706] {strides = array<i32>} : memref<512xf32, #tpu.memory_space<vmem>>, vector<16xf32>,
      %get3A_708 = vector.shape_cast %get3A_707 : vector<16xf32> to vector<16xf32>
      %add3A_709 = arith.constant 2048 : i32
      %add3A_710 = arith.addi %add3A_709, %mul3A_705 : i32
      %get3A_711 = arith.index_cast %add3A_710 : i32 to index
      %get3A_712 = tpu.vector_load %arg8[%get3A_711] {strides = array<i32>} : memref<13312xf32, #tpu.memory_space<vmem>>, vector<16xf32>,
      %get3A_713 = vector.shape_cast %get3A_712 : vector<16xf32> to vector<16xf32>
      %add3A_714 = arith.addf %get3A_708, %get3A_713 : vector<16xf32>
      %add3A_715 = arith.constant 2560 : i32
      %add3A_716 = arith.addi %add3A_715, %mul3A_705 : i32
      %get3A_717 = arith.index_cast %add3A_716 : i32 to index
      %get3A_718 = tpu.vector_load %arg8[%get3A_717] {strides = array<i32>} : memref<13312xf32, #tpu.memory_space<vmem>>, vector<16xf32>,
      %get3A_719 = vector.shape_cast %get3A_718 : vector<16xf32> to vector<16xf32>
      %add3A_720 = arith.addf %add3A_714, %get3A_719 : vector<16xf32>
      %swap3A = arith.index_cast %mul3A_705 : i32 to index
      %swap3A_721 = tpu.vector_load %arg9[%swap3A] {strides = array<i32>} : memref<512xf32, #tpu.memory_space<vmem>>, vector<16xf32>,
      %swap3A_722 = vector.shape_cast %swap3A_721 : vector<16xf32> to vector<16xf32>
      %swap3A_723 = vector.shape_cast %add3A_720 : vector<16xf32> to vector<16xf32>
      tpu.vector_store %arg9[%swap3A], %swap3A_723 {strides = array<i32>} : memref<512xf32, #tpu.memory_space<vmem>>, vector<16xf32>,
    }
    %scan3A_292 = arith.constant 32 : i32
    %dma_wait3A_293 = arith.constant 3072 : i32
    %dma_wait3A_294 = tpu.memref_slice %arg8[%dma_wait3A_293] : memref<13312xf32, #tpu.memory_space<vmem>> -> memref<1024xf32, #tpu.memory_space<vmem>>
    %dma_wait3A_295 = arith.constant 3072 : i32
    %dma_wait3A_296 = tpu.memref_slice %arg7[%dma_wait3A_295] : memref<13312xi32, #tpu.memory_space<vmem>> -> memref<1024xi32, #tpu.memory_space<vmem>>
    %dma_wait3A_297 = arith.constant 0 : i32
    %dma_wait3A_298 = tpu.memref_slice %arg11[%dma_wait3A_297] : memref<1000448xf32, #tpu.memory_space<vmem_shared>> -> memref<1000448xf32, #tpu.memory_space<vmem_shared>>
    tpu.wait_indirect_dma semaphore(%arg15 : memref<!tpu.dma_semaphore, #tpu.memory_space<semaphore_mem>>) src(%dma_wait3A_298 : memref<1000448xf32, #tpu.memory_space<vmem_shared>>) dst(%dma_wait3A_294 : memref<1024xf32, #tpu.memory_space<vmem>>)
    %dma_wait3A_299 = arith.constant 10 : i32
    %dma_wait3A_300 = arith.constant 5120 : i32
    %dma_wait3A_301 = tpu.memref_slice %arg7[%dma_wait3A_300] : memref<13312xi32, #tpu.memory_space<vmem>> -> memref<512xi32, #tpu.memory_space<vmem>>
    %dma_wait3A_302 = tpu.memref_slice %arg4[%dma_wait3A_299, %mul3A_2] : memref<26x16384xi32, #tpu.memory_space<hbm>> -> memref<1x512xi32, #tpu.memory_space<hbm>>
    %dma_wait3A_303 = tpu.memref_squeeze %dma_wait3A_302 : memref<1x512xi32, #tpu.memory_space<hbm>> -> memref<512xi32, #tpu.memory_space<hbm>>
    %dma_wait3A_304 = arith.constant 5120 : i32
    %dma_wait3A_305 = tpu.memref_slice %arg7[%dma_wait3A_304] : memref<13312xi32, #tpu.memory_space<vmem>> -> memref<512xi32, #tpu.memory_space<vmem>>
    %dma_wait3A_306 = tpu.memref_slice %arg4[%dma_wait3A_299, %mul3A_2] : memref<26x16384xi32, #tpu.memory_space<hbm>> -> memref<1x512xi32, #tpu.memory_space<hbm>>
    %dma_wait3A_307 = tpu.memref_squeeze %dma_wait3A_306 : memref<1x512xi32, #tpu.memory_space<hbm>> -> memref<512xi32, #tpu.memory_space<hbm>>
    tpu.wait_dma2 semaphore(%arg13 : memref<!tpu.dma_semaphore, #tpu.memory_space<semaphore_mem>>) src(%dma_wait3A_307 : memref<512xi32, #tpu.memory_space<hbm>>) dst(%dma_wait3A_305 : memref<512xi32, #tpu.memory_space<vmem>>)
    %dma_wait3A_308 = arith.constant 11 : i32
    %dma_wait3A_309 = arith.constant 5632 : i32
    %dma_wait3A_310 = tpu.memref_slice %arg7[%dma_wait3A_309] : memref<13312xi32, #tpu.memory_space<vmem>> -> memref<512xi32, #tpu.memory_space<vmem>>
    %dma_wait3A_311 = tpu.memref_slice %arg4[%dma_wait3A_308, %mul3A_2] : memref<26x16384xi32, #tpu.memory_space<hbm>> -> memref<1x512xi32, #tpu.memory_space<hbm>>
    %dma_wait3A_312 = tpu.memref_squeeze %dma_wait3A_311 : memref<1x512xi32, #tpu.memory_space<hbm>> -> memref<512xi32, #tpu.memory_space<hbm>>
    %dma_wait3A_313 = arith.constant 5632 : i32
    %dma_wait3A_314 = tpu.memref_slice %arg7[%dma_wait3A_313] : memref<13312xi32, #tpu.memory_space<vmem>> -> memref<512xi32, #tpu.memory_space<vmem>>
    %dma_wait3A_315 = tpu.memref_slice %arg4[%dma_wait3A_308, %mul3A_2] : memref<26x16384xi32, #tpu.memory_space<hbm>> -> memref<1x512xi32, #tpu.memory_space<hbm>>
    %dma_wait3A_316 = tpu.memref_squeeze %dma_wait3A_315 : memref<1x512xi32, #tpu.memory_space<hbm>> -> memref<512xi32, #tpu.memory_space<hbm>>
    tpu.wait_dma2 semaphore(%arg13 : memref<!tpu.dma_semaphore, #tpu.memory_space<semaphore_mem>>) src(%dma_wait3A_316 : memref<512xi32, #tpu.memory_space<hbm>>) dst(%dma_wait3A_314 : memref<512xi32, #tpu.memory_space<vmem>>)
    %dma_start3A_317 = arith.constant 5120 : i32
    %dma_start3A_318 = tpu.memref_slice %arg8[%dma_start3A_317] : memref<13312xf32, #tpu.memory_space<vmem>> -> memref<1024xf32, #tpu.memory_space<vmem>>
    %dma_start3A_319 = arith.constant 5120 : i32
    %dma_start3A_320 = tpu.memref_slice %arg7[%dma_start3A_319] : memref<13312xi32, #tpu.memory_space<vmem>> -> memref<1024xi32, #tpu.memory_space<vmem>>
    %dma_start3A_321 = arith.constant 0 : i32
    %dma_start3A_322 = tpu.memref_slice %arg11[%dma_start3A_321] : memref<1000448xf32, #tpu.memory_space<vmem_shared>> -> memref<1000448xf32, #tpu.memory_space<vmem_shared>>
    tpu.enqueue_indirect_dma source(%dma_start3A_322 : memref<1000448xf32, #tpu.memory_space<vmem_shared>>) target(%dma_start3A_318 : memref<1024xf32, #tpu.memory_space<vmem>>) offsets(%dma_start3A_320 : memref<1024xi32, #tpu.memory_space<vmem>>) semaphore(%arg15 : memref<!tpu.dma_semaphore, #tpu.memory_space<semaphore_mem>>)
    %dma_start3A_323 = arith.constant 14 : i32
    %dma_start3A_324 = arith.constant 7168 : i32
    %dma_start3A_325 = tpu.memref_slice %arg7[%dma_start3A_324] : memref<13312xi32, #tpu.memory_space<vmem>> -> memref<512xi32, #tpu.memory_space<vmem>>
    %dma_start3A_326 = tpu.memref_slice %arg4[%dma_start3A_323, %mul3A_2] : memref<26x16384xi32, #tpu.memory_space<hbm>> -> memref<1x512xi32, #tpu.memory_space<hbm>>
    %dma_start3A_327 = tpu.memref_squeeze %dma_start3A_326 : memref<1x512xi32, #tpu.memory_space<hbm>> -> memref<512xi32, #tpu.memory_space<hbm>>
    %dma_start3A_328 = arith.constant 7168 : i32
    %dma_start3A_329 = tpu.memref_slice %arg7[%dma_start3A_328] : memref<13312xi32, #tpu.memory_space<vmem>> -> memref<512xi32, #tpu.memory_space<vmem>>
    %dma_start3A_330 = tpu.memref_slice %arg4[%dma_start3A_323, %mul3A_2] : memref<26x16384xi32, #tpu.memory_space<hbm>> -> memref<1x512xi32, #tpu.memory_space<hbm>>
    %dma_start3A_331 = tpu.memref_squeeze %dma_start3A_330 : memref<1x512xi32, #tpu.memory_space<hbm>> -> memref<512xi32, #tpu.memory_space<hbm>>
    tpu.enqueue_dma source(%dma_start3A_331 : memref<512xi32, #tpu.memory_space<hbm>>) target(%dma_start3A_329 : memref<512xi32, #tpu.memory_space<vmem>>) target_semaphore(%arg13 : memref<!tpu.dma_semaphore, #tpu.memory_space<semaphore_mem>>)
    %dma_start3A_332 = arith.constant 15 : i32
    %dma_start3A_333 = arith.constant 7680 : i32
    %dma_start3A_334 = tpu.memref_slice %arg7[%dma_start3A_333] : memref<13312xi32, #tpu.memory_space<vmem>> -> memref<512xi32, #tpu.memory_space<vmem>>
    %dma_start3A_335 = tpu.memref_slice %arg4[%dma_start3A_332, %mul3A_2] : memref<26x16384xi32, #tpu.memory_space<hbm>> -> memref<1x512xi32, #tpu.memory_space<hbm>>
    %dma_start3A_336 = tpu.memref_squeeze %dma_start3A_335 : memref<1x512xi32, #tpu.memory_space<hbm>> -> memref<512xi32, #tpu.memory_space<hbm>>
    %dma_start3A_337 = arith.constant 7680 : i32
    %dma_start3A_338 = tpu.memref_slice %arg7[%dma_start3A_337] : memref<13312xi32, #tpu.memory_space<vmem>> -> memref<512xi32, #tpu.memory_space<vmem>>
    %dma_start3A_339 = tpu.memref_slice %arg4[%dma_start3A_332, %mul3A_2] : memref<26x16384xi32, #tpu.memory_space<hbm>> -> memref<1x512xi32, #tpu.memory_space<hbm>>
    %dma_start3A_340 = tpu.memref_squeeze %dma_start3A_339 : memref<1x512xi32, #tpu.memory_space<hbm>> -> memref<512xi32, #tpu.memory_space<hbm>>
    tpu.enqueue_dma source(%dma_start3A_340 : memref<512xi32, #tpu.memory_space<hbm>>) target(%dma_start3A_338 : memref<512xi32, #tpu.memory_space<vmem>>) target_semaphore(%arg13 : memref<!tpu.dma_semaphore, #tpu.memory_space<semaphore_mem>>)
    %scan3A_341 = arith.constant 0 : i32
    %scan3A_342 = arith.constant 32 : i32
    %scan3A_343 = arith.addi %scan3A_341, %scan3A_342 : i32
    %scan3A_344 = arith.constant 1 : i32
    scf.for %scan3A_703 = %scan3A_341 to %scan3A_343 step %scan3A_344  : i32 {
      %mul3A_704 = arith.constant 16 : i32
      %mul3A_705 = arith.muli %scan3A_703, %mul3A_704 : i32
      %get3A_706 = arith.index_cast %mul3A_705 : i32 to index
      %get3A_707 = tpu.vector_load %arg9[%get3A_706] {strides = array<i32>} : memref<512xf32, #tpu.memory_space<vmem>>, vector<16xf32>,
      %get3A_708 = vector.shape_cast %get3A_707 : vector<16xf32> to vector<16xf32>
      %add3A_709 = arith.constant 3072 : i32
      %add3A_710 = arith.addi %add3A_709, %mul3A_705 : i32
      %get3A_711 = arith.index_cast %add3A_710 : i32 to index
      %get3A_712 = tpu.vector_load %arg8[%get3A_711] {strides = array<i32>} : memref<13312xf32, #tpu.memory_space<vmem>>, vector<16xf32>,
      %get3A_713 = vector.shape_cast %get3A_712 : vector<16xf32> to vector<16xf32>
      %add3A_714 = arith.addf %get3A_708, %get3A_713 : vector<16xf32>
      %add3A_715 = arith.constant 3584 : i32
      %add3A_716 = arith.addi %add3A_715, %mul3A_705 : i32
      %get3A_717 = arith.index_cast %add3A_716 : i32 to index
      %get3A_718 = tpu.vector_load %arg8[%get3A_717] {strides = array<i32>} : memref<13312xf32, #tpu.memory_space<vmem>>, vector<16xf32>,
      %get3A_719 = vector.shape_cast %get3A_718 : vector<16xf32> to vector<16xf32>
      %add3A_720 = arith.addf %add3A_714, %get3A_719 : vector<16xf32>
      %swap3A = arith.index_cast %mul3A_705 : i32 to index
      %swap3A_721 = tpu.vector_load %arg9[%swap3A] {strides = array<i32>} : memref<512xf32, #tpu.memory_space<vmem>>, vector<16xf32>,
      %swap3A_722 = vector.shape_cast %swap3A_721 : vector<16xf32> to vector<16xf32>
      %swap3A_723 = vector.shape_cast %add3A_720 : vector<16xf32> to vector<16xf32>
      tpu.vector_store %arg9[%swap3A], %swap3A_723 {strides = array<i32>} : memref<512xf32, #tpu.memory_space<vmem>>, vector<16xf32>,
    }
    %scan3A_345 = arith.constant 32 : i32
    %dma_wait3A_346 = arith.constant 4096 : i32
    %dma_wait3A_347 = tpu.memref_slice %arg8[%dma_wait3A_346] : memref<13312xf32, #tpu.memory_space<vmem>> -> memref<1024xf32, #tpu.memory_space<vmem>>
    %dma_wait3A_348 = arith.constant 4096 : i32
    %dma_wait3A_349 = tpu.memref_slice %arg7[%dma_wait3A_348] : memref<13312xi32, #tpu.memory_space<vmem>> -> memref<1024xi32, #tpu.memory_space<vmem>>
    %dma_wait3A_350 = arith.constant 0 : i32
    %dma_wait3A_351 = tpu.memref_slice %arg11[%dma_wait3A_350] : memref<1000448xf32, #tpu.memory_space<vmem_shared>> -> memref<1000448xf32, #tpu.memory_space<vmem_shared>>
    tpu.wait_indirect_dma semaphore(%arg14 : memref<!tpu.dma_semaphore, #tpu.memory_space<semaphore_mem>>) src(%dma_wait3A_351 : memref<1000448xf32, #tpu.memory_space<vmem_shared>>) dst(%dma_wait3A_347 : memref<1024xf32, #tpu.memory_space<vmem>>)
    %dma_wait3A_352 = arith.constant 12 : i32
    %dma_wait3A_353 = arith.constant 6144 : i32
    %dma_wait3A_354 = tpu.memref_slice %arg7[%dma_wait3A_353] : memref<13312xi32, #tpu.memory_space<vmem>> -> memref<512xi32, #tpu.memory_space<vmem>>
    %dma_wait3A_355 = tpu.memref_slice %arg4[%dma_wait3A_352, %mul3A_2] : memref<26x16384xi32, #tpu.memory_space<hbm>> -> memref<1x512xi32, #tpu.memory_space<hbm>>
    %dma_wait3A_356 = tpu.memref_squeeze %dma_wait3A_355 : memref<1x512xi32, #tpu.memory_space<hbm>> -> memref<512xi32, #tpu.memory_space<hbm>>
    %dma_wait3A_357 = arith.constant 6144 : i32
    %dma_wait3A_358 = tpu.memref_slice %arg7[%dma_wait3A_357] : memref<13312xi32, #tpu.memory_space<vmem>> -> memref<512xi32, #tpu.memory_space<vmem>>
    %dma_wait3A_359 = tpu.memref_slice %arg4[%dma_wait3A_352, %mul3A_2] : memref<26x16384xi32, #tpu.memory_space<hbm>> -> memref<1x512xi32, #tpu.memory_space<hbm>>
    %dma_wait3A_360 = tpu.memref_squeeze %dma_wait3A_359 : memref<1x512xi32, #tpu.memory_space<hbm>> -> memref<512xi32, #tpu.memory_space<hbm>>
    tpu.wait_dma2 semaphore(%arg12 : memref<!tpu.dma_semaphore, #tpu.memory_space<semaphore_mem>>) src(%dma_wait3A_360 : memref<512xi32, #tpu.memory_space<hbm>>) dst(%dma_wait3A_358 : memref<512xi32, #tpu.memory_space<vmem>>)
    %dma_wait3A_361 = arith.constant 13 : i32
    %dma_wait3A_362 = arith.constant 6656 : i32
    %dma_wait3A_363 = tpu.memref_slice %arg7[%dma_wait3A_362] : memref<13312xi32, #tpu.memory_space<vmem>> -> memref<512xi32, #tpu.memory_space<vmem>>
    %dma_wait3A_364 = tpu.memref_slice %arg4[%dma_wait3A_361, %mul3A_2] : memref<26x16384xi32, #tpu.memory_space<hbm>> -> memref<1x512xi32, #tpu.memory_space<hbm>>
    %dma_wait3A_365 = tpu.memref_squeeze %dma_wait3A_364 : memref<1x512xi32, #tpu.memory_space<hbm>> -> memref<512xi32, #tpu.memory_space<hbm>>
    %dma_wait3A_366 = arith.constant 6656 : i32
    %dma_wait3A_367 = tpu.memref_slice %arg7[%dma_wait3A_366] : memref<13312xi32, #tpu.memory_space<vmem>> -> memref<512xi32, #tpu.memory_space<vmem>>
    %dma_wait3A_368 = tpu.memref_slice %arg4[%dma_wait3A_361, %mul3A_2] : memref<26x16384xi32, #tpu.memory_space<hbm>> -> memref<1x512xi32, #tpu.memory_space<hbm>>
    %dma_wait3A_369 = tpu.memref_squeeze %dma_wait3A_368 : memref<1x512xi32, #tpu.memory_space<hbm>> -> memref<512xi32, #tpu.memory_space<hbm>>
    tpu.wait_dma2 semaphore(%arg12 : memref<!tpu.dma_semaphore, #tpu.memory_space<semaphore_mem>>) src(%dma_wait3A_369 : memref<512xi32, #tpu.memory_space<hbm>>) dst(%dma_wait3A_367 : memref<512xi32, #tpu.memory_space<vmem>>)
    %dma_start3A_370 = arith.constant 6144 : i32
    %dma_start3A_371 = tpu.memref_slice %arg8[%dma_start3A_370] : memref<13312xf32, #tpu.memory_space<vmem>> -> memref<1024xf32, #tpu.memory_space<vmem>>
    %dma_start3A_372 = arith.constant 6144 : i32
    %dma_start3A_373 = tpu.memref_slice %arg7[%dma_start3A_372] : memref<13312xi32, #tpu.memory_space<vmem>> -> memref<1024xi32, #tpu.memory_space<vmem>>
    %dma_start3A_374 = arith.constant 0 : i32
    %dma_start3A_375 = tpu.memref_slice %arg11[%dma_start3A_374] : memref<1000448xf32, #tpu.memory_space<vmem_shared>> -> memref<1000448xf32, #tpu.memory_space<vmem_shared>>
    tpu.enqueue_indirect_dma source(%dma_start3A_375 : memref<1000448xf32, #tpu.memory_space<vmem_shared>>) target(%dma_start3A_371 : memref<1024xf32, #tpu.memory_space<vmem>>) offsets(%dma_start3A_373 : memref<1024xi32, #tpu.memory_space<vmem>>) semaphore(%arg14 : memref<!tpu.dma_semaphore, #tpu.memory_space<semaphore_mem>>)
    %dma_start3A_376 = arith.constant 16 : i32
    %dma_start3A_377 = arith.constant 8192 : i32
    %dma_start3A_378 = tpu.memref_slice %arg7[%dma_start3A_377] : memref<13312xi32, #tpu.memory_space<vmem>> -> memref<512xi32, #tpu.memory_space<vmem>>
    %dma_start3A_379 = tpu.memref_slice %arg4[%dma_start3A_376, %mul3A_2] : memref<26x16384xi32, #tpu.memory_space<hbm>> -> memref<1x512xi32, #tpu.memory_space<hbm>>
    %dma_start3A_380 = tpu.memref_squeeze %dma_start3A_379 : memref<1x512xi32, #tpu.memory_space<hbm>> -> memref<512xi32, #tpu.memory_space<hbm>>
    %dma_start3A_381 = arith.constant 8192 : i32
    %dma_start3A_382 = tpu.memref_slice %arg7[%dma_start3A_381] : memref<13312xi32, #tpu.memory_space<vmem>> -> memref<512xi32, #tpu.memory_space<vmem>>
    %dma_start3A_383 = tpu.memref_slice %arg4[%dma_start3A_376, %mul3A_2] : memref<26x16384xi32, #tpu.memory_space<hbm>> -> memref<1x512xi32, #tpu.memory_space<hbm>>
    %dma_start3A_384 = tpu.memref_squeeze %dma_start3A_383 : memref<1x512xi32, #tpu.memory_space<hbm>> -> memref<512xi32, #tpu.memory_space<hbm>>
    tpu.enqueue_dma source(%dma_start3A_384 : memref<512xi32, #tpu.memory_space<hbm>>) target(%dma_start3A_382 : memref<512xi32, #tpu.memory_space<vmem>>) target_semaphore(%arg12 : memref<!tpu.dma_semaphore, #tpu.memory_space<semaphore_mem>>)
    %dma_start3A_385 = arith.constant 17 : i32
    %dma_start3A_386 = arith.constant 8704 : i32
    %dma_start3A_387 = tpu.memref_slice %arg7[%dma_start3A_386] : memref<13312xi32, #tpu.memory_space<vmem>> -> memref<512xi32, #tpu.memory_space<vmem>>
    %dma_start3A_388 = tpu.memref_slice %arg4[%dma_start3A_385, %mul3A_2] : memref<26x16384xi32, #tpu.memory_space<hbm>> -> memref<1x512xi32, #tpu.memory_space<hbm>>
    %dma_start3A_389 = tpu.memref_squeeze %dma_start3A_388 : memref<1x512xi32, #tpu.memory_space<hbm>> -> memref<512xi32, #tpu.memory_space<hbm>>
    %dma_start3A_390 = arith.constant 8704 : i32
    %dma_start3A_391 = tpu.memref_slice %arg7[%dma_start3A_390] : memref<13312xi32, #tpu.memory_space<vmem>> -> memref<512xi32, #tpu.memory_space<vmem>>
    %dma_start3A_392 = tpu.memref_slice %arg4[%dma_start3A_385, %mul3A_2] : memref<26x16384xi32, #tpu.memory_space<hbm>> -> memref<1x512xi32, #tpu.memory_space<hbm>>
    %dma_start3A_393 = tpu.memref_squeeze %dma_start3A_392 : memref<1x512xi32, #tpu.memory_space<hbm>> -> memref<512xi32, #tpu.memory_space<hbm>>
    tpu.enqueue_dma source(%dma_start3A_393 : memref<512xi32, #tpu.memory_space<hbm>>) target(%dma_start3A_391 : memref<512xi32, #tpu.memory_space<vmem>>) target_semaphore(%arg12 : memref<!tpu.dma_semaphore, #tpu.memory_space<semaphore_mem>>)
    %scan3A_394 = arith.constant 0 : i32
    %scan3A_395 = arith.constant 32 : i32
    %scan3A_396 = arith.addi %scan3A_394, %scan3A_395 : i32
    %scan3A_397 = arith.constant 1 : i32
    scf.for %scan3A_703 = %scan3A_394 to %scan3A_396 step %scan3A_397  : i32 {
      %mul3A_704 = arith.constant 16 : i32
      %mul3A_705 = arith.muli %scan3A_703, %mul3A_704 : i32
      %get3A_706 = arith.index_cast %mul3A_705 : i32 to index
      %get3A_707 = tpu.vector_load %arg9[%get3A_706] {strides = array<i32>} : memref<512xf32, #tpu.memory_space<vmem>>, vector<16xf32>,
      %get3A_708 = vector.shape_cast %get3A_707 : vector<16xf32> to vector<16xf32>
      %add3A_709 = arith.constant 4096 : i32
      %add3A_710 = arith.addi %add3A_709, %mul3A_705 : i32
      %get3A_711 = arith.index_cast %add3A_710 : i32 to index
      %get3A_712 = tpu.vector_load %arg8[%get3A_711] {strides = array<i32>} : memref<13312xf32, #tpu.memory_space<vmem>>, vector<16xf32>,
      %get3A_713 = vector.shape_cast %get3A_712 : vector<16xf32> to vector<16xf32>
      %add3A_714 = arith.addf %get3A_708, %get3A_713 : vector<16xf32>
      %add3A_715 = arith.constant 4608 : i32
      %add3A_716 = arith.addi %add3A_715, %mul3A_705 : i32
      %get3A_717 = arith.index_cast %add3A_716 : i32 to index
      %get3A_718 = tpu.vector_load %arg8[%get3A_717] {strides = array<i32>} : memref<13312xf32, #tpu.memory_space<vmem>>, vector<16xf32>,
      %get3A_719 = vector.shape_cast %get3A_718 : vector<16xf32> to vector<16xf32>
      %add3A_720 = arith.addf %add3A_714, %get3A_719 : vector<16xf32>
      %swap3A = arith.index_cast %mul3A_705 : i32 to index
      %swap3A_721 = tpu.vector_load %arg9[%swap3A] {strides = array<i32>} : memref<512xf32, #tpu.memory_space<vmem>>, vector<16xf32>,
      %swap3A_722 = vector.shape_cast %swap3A_721 : vector<16xf32> to vector<16xf32>
      %swap3A_723 = vector.shape_cast %add3A_720 : vector<16xf32> to vector<16xf32>
      tpu.vector_store %arg9[%swap3A], %swap3A_723 {strides = array<i32>} : memref<512xf32, #tpu.memory_space<vmem>>, vector<16xf32>,
    }
    %scan3A_398 = arith.constant 32 : i32
    %dma_wait3A_399 = arith.constant 5120 : i32
    %dma_wait3A_400 = tpu.memref_slice %arg8[%dma_wait3A_399] : memref<13312xf32, #tpu.memory_space<vmem>> -> memref<1024xf32, #tpu.memory_space<vmem>>
    %dma_wait3A_401 = arith.constant 5120 : i32
    %dma_wait3A_402 = tpu.memref_slice %arg7[%dma_wait3A_401] : memref<13312xi32, #tpu.memory_space<vmem>> -> memref<1024xi32, #tpu.memory_space<vmem>>
    %dma_wait3A_403 = arith.constant 0 : i32
    %dma_wait3A_404 = tpu.memref_slice %arg11[%dma_wait3A_403] : memref<1000448xf32, #tpu.memory_space<vmem_shared>> -> memref<1000448xf32, #tpu.memory_space<vmem_shared>>
    tpu.wait_indirect_dma semaphore(%arg15 : memref<!tpu.dma_semaphore, #tpu.memory_space<semaphore_mem>>) src(%dma_wait3A_404 : memref<1000448xf32, #tpu.memory_space<vmem_shared>>) dst(%dma_wait3A_400 : memref<1024xf32, #tpu.memory_space<vmem>>)
    %dma_wait3A_405 = arith.constant 14 : i32
    %dma_wait3A_406 = arith.constant 7168 : i32
    %dma_wait3A_407 = tpu.memref_slice %arg7[%dma_wait3A_406] : memref<13312xi32, #tpu.memory_space<vmem>> -> memref<512xi32, #tpu.memory_space<vmem>>
    %dma_wait3A_408 = tpu.memref_slice %arg4[%dma_wait3A_405, %mul3A_2] : memref<26x16384xi32, #tpu.memory_space<hbm>> -> memref<1x512xi32, #tpu.memory_space<hbm>>
    %dma_wait3A_409 = tpu.memref_squeeze %dma_wait3A_408 : memref<1x512xi32, #tpu.memory_space<hbm>> -> memref<512xi32, #tpu.memory_space<hbm>>
    %dma_wait3A_410 = arith.constant 7168 : i32
    %dma_wait3A_411 = tpu.memref_slice %arg7[%dma_wait3A_410] : memref<13312xi32, #tpu.memory_space<vmem>> -> memref<512xi32, #tpu.memory_space<vmem>>
    %dma_wait3A_412 = tpu.memref_slice %arg4[%dma_wait3A_405, %mul3A_2] : memref<26x16384xi32, #tpu.memory_space<hbm>> -> memref<1x512xi32, #tpu.memory_space<hbm>>
    %dma_wait3A_413 = tpu.memref_squeeze %dma_wait3A_412 : memref<1x512xi32, #tpu.memory_space<hbm>> -> memref<512xi32, #tpu.memory_space<hbm>>
    tpu.wait_dma2 semaphore(%arg13 : memref<!tpu.dma_semaphore, #tpu.memory_space<semaphore_mem>>) src(%dma_wait3A_413 : memref<512xi32, #tpu.memory_space<hbm>>) dst(%dma_wait3A_411 : memref<512xi32, #tpu.memory_space<vmem>>)
    %dma_wait3A_414 = arith.constant 15 : i32
    %dma_wait3A_415 = arith.constant 7680 : i32
    %dma_wait3A_416 = tpu.memref_slice %arg7[%dma_wait3A_415] : memref<13312xi32, #tpu.memory_space<vmem>> -> memref<512xi32, #tpu.memory_space<vmem>>
    %dma_wait3A_417 = tpu.memref_slice %arg4[%dma_wait3A_414, %mul3A_2] : memref<26x16384xi32, #tpu.memory_space<hbm>> -> memref<1x512xi32, #tpu.memory_space<hbm>>
    %dma_wait3A_418 = tpu.memref_squeeze %dma_wait3A_417 : memref<1x512xi32, #tpu.memory_space<hbm>> -> memref<512xi32, #tpu.memory_space<hbm>>
    %dma_wait3A_419 = arith.constant 7680 : i32
    %dma_wait3A_420 = tpu.memref_slice %arg7[%dma_wait3A_419] : memref<13312xi32, #tpu.memory_space<vmem>> -> memref<512xi32, #tpu.memory_space<vmem>>
    %dma_wait3A_421 = tpu.memref_slice %arg4[%dma_wait3A_414, %mul3A_2] : memref<26x16384xi32, #tpu.memory_space<hbm>> -> memref<1x512xi32, #tpu.memory_space<hbm>>
    %dma_wait3A_422 = tpu.memref_squeeze %dma_wait3A_421 : memref<1x512xi32, #tpu.memory_space<hbm>> -> memref<512xi32, #tpu.memory_space<hbm>>
    tpu.wait_dma2 semaphore(%arg13 : memref<!tpu.dma_semaphore, #tpu.memory_space<semaphore_mem>>) src(%dma_wait3A_422 : memref<512xi32, #tpu.memory_space<hbm>>) dst(%dma_wait3A_420 : memref<512xi32, #tpu.memory_space<vmem>>)
    %dma_start3A_423 = arith.constant 7168 : i32
    %dma_start3A_424 = tpu.memref_slice %arg8[%dma_start3A_423] : memref<13312xf32, #tpu.memory_space<vmem>> -> memref<1024xf32, #tpu.memory_space<vmem>>
    %dma_start3A_425 = arith.constant 7168 : i32
    %dma_start3A_426 = tpu.memref_slice %arg7[%dma_start3A_425] : memref<13312xi32, #tpu.memory_space<vmem>> -> memref<1024xi32, #tpu.memory_space<vmem>>
    %dma_start3A_427 = arith.constant 0 : i32
    %dma_start3A_428 = tpu.memref_slice %arg11[%dma_start3A_427] : memref<1000448xf32, #tpu.memory_space<vmem_shared>> -> memref<1000448xf32, #tpu.memory_space<vmem_shared>>
    tpu.enqueue_indirect_dma source(%dma_start3A_428 : memref<1000448xf32, #tpu.memory_space<vmem_shared>>) target(%dma_start3A_424 : memref<1024xf32, #tpu.memory_space<vmem>>) offsets(%dma_start3A_426 : memref<1024xi32, #tpu.memory_space<vmem>>) semaphore(%arg15 : memref<!tpu.dma_semaphore, #tpu.memory_space<semaphore_mem>>)
    %dma_start3A_429 = arith.constant 18 : i32
    %dma_start3A_430 = arith.constant 9216 : i32
    %dma_start3A_431 = tpu.memref_slice %arg7[%dma_start3A_430] : memref<13312xi32, #tpu.memory_space<vmem>> -> memref<512xi32, #tpu.memory_space<vmem>>
    %dma_start3A_432 = tpu.memref_slice %arg4[%dma_start3A_429, %mul3A_2] : memref<26x16384xi32, #tpu.memory_space<hbm>> -> memref<1x512xi32, #tpu.memory_space<hbm>>
    %dma_start3A_433 = tpu.memref_squeeze %dma_start3A_432 : memref<1x512xi32, #tpu.memory_space<hbm>> -> memref<512xi32, #tpu.memory_space<hbm>>
    %dma_start3A_434 = arith.constant 9216 : i32
    %dma_start3A_435 = tpu.memref_slice %arg7[%dma_start3A_434] : memref<13312xi32, #tpu.memory_space<vmem>> -> memref<512xi32, #tpu.memory_space<vmem>>
    %dma_start3A_436 = tpu.memref_slice %arg4[%dma_start3A_429, %mul3A_2] : memref<26x16384xi32, #tpu.memory_space<hbm>> -> memref<1x512xi32, #tpu.memory_space<hbm>>
    %dma_start3A_437 = tpu.memref_squeeze %dma_start3A_436 : memref<1x512xi32, #tpu.memory_space<hbm>> -> memref<512xi32, #tpu.memory_space<hbm>>
    tpu.enqueue_dma source(%dma_start3A_437 : memref<512xi32, #tpu.memory_space<hbm>>) target(%dma_start3A_435 : memref<512xi32, #tpu.memory_space<vmem>>) target_semaphore(%arg13 : memref<!tpu.dma_semaphore, #tpu.memory_space<semaphore_mem>>)
    %dma_start3A_438 = arith.constant 19 : i32
    %dma_start3A_439 = arith.constant 9728 : i32
    %dma_start3A_440 = tpu.memref_slice %arg7[%dma_start3A_439] : memref<13312xi32, #tpu.memory_space<vmem>> -> memref<512xi32, #tpu.memory_space<vmem>>
    %dma_start3A_441 = tpu.memref_slice %arg4[%dma_start3A_438, %mul3A_2] : memref<26x16384xi32, #tpu.memory_space<hbm>> -> memref<1x512xi32, #tpu.memory_space<hbm>>
    %dma_start3A_442 = tpu.memref_squeeze %dma_start3A_441 : memref<1x512xi32, #tpu.memory_space<hbm>> -> memref<512xi32, #tpu.memory_space<hbm>>
    %dma_start3A_443 = arith.constant 9728 : i32
    %dma_start3A_444 = tpu.memref_slice %arg7[%dma_start3A_443] : memref<13312xi32, #tpu.memory_space<vmem>> -> memref<512xi32, #tpu.memory_space<vmem>>
    %dma_start3A_445 = tpu.memref_slice %arg4[%dma_start3A_438, %mul3A_2] : memref<26x16384xi32, #tpu.memory_space<hbm>> -> memref<1x512xi32, #tpu.memory_space<hbm>>
    %dma_start3A_446 = tpu.memref_squeeze %dma_start3A_445 : memref<1x512xi32, #tpu.memory_space<hbm>> -> memref<512xi32, #tpu.memory_space<hbm>>
    tpu.enqueue_dma source(%dma_start3A_446 : memref<512xi32, #tpu.memory_space<hbm>>) target(%dma_start3A_444 : memref<512xi32, #tpu.memory_space<vmem>>) target_semaphore(%arg13 : memref<!tpu.dma_semaphore, #tpu.memory_space<semaphore_mem>>)
    %scan3A_447 = arith.constant 0 : i32
    %scan3A_448 = arith.constant 32 : i32
    %scan3A_449 = arith.addi %scan3A_447, %scan3A_448 : i32
    %scan3A_450 = arith.constant 1 : i32
    scf.for %scan3A_703 = %scan3A_447 to %scan3A_449 step %scan3A_450  : i32 {
      %mul3A_704 = arith.constant 16 : i32
      %mul3A_705 = arith.muli %scan3A_703, %mul3A_704 : i32
      %get3A_706 = arith.index_cast %mul3A_705 : i32 to index
      %get3A_707 = tpu.vector_load %arg9[%get3A_706] {strides = array<i32>} : memref<512xf32, #tpu.memory_space<vmem>>, vector<16xf32>,
      %get3A_708 = vector.shape_cast %get3A_707 : vector<16xf32> to vector<16xf32>
      %add3A_709 = arith.constant 5120 : i32
      %add3A_710 = arith.addi %add3A_709, %mul3A_705 : i32
      %get3A_711 = arith.index_cast %add3A_710 : i32 to index
      %get3A_712 = tpu.vector_load %arg8[%get3A_711] {strides = array<i32>} : memref<13312xf32, #tpu.memory_space<vmem>>, vector<16xf32>,
      %get3A_713 = vector.shape_cast %get3A_712 : vector<16xf32> to vector<16xf32>
      %add3A_714 = arith.addf %get3A_708, %get3A_713 : vector<16xf32>
      %add3A_715 = arith.constant 5632 : i32
      %add3A_716 = arith.addi %add3A_715, %mul3A_705 : i32
      %get3A_717 = arith.index_cast %add3A_716 : i32 to index
      %get3A_718 = tpu.vector_load %arg8[%get3A_717] {strides = array<i32>} : memref<13312xf32, #tpu.memory_space<vmem>>, vector<16xf32>,
      %get3A_719 = vector.shape_cast %get3A_718 : vector<16xf32> to vector<16xf32>
      %add3A_720 = arith.addf %add3A_714, %get3A_719 : vector<16xf32>
      %swap3A = arith.index_cast %mul3A_705 : i32 to index
      %swap3A_721 = tpu.vector_load %arg9[%swap3A] {strides = array<i32>} : memref<512xf32, #tpu.memory_space<vmem>>, vector<16xf32>,
      %swap3A_722 = vector.shape_cast %swap3A_721 : vector<16xf32> to vector<16xf32>
      %swap3A_723 = vector.shape_cast %add3A_720 : vector<16xf32> to vector<16xf32>
      tpu.vector_store %arg9[%swap3A], %swap3A_723 {strides = array<i32>} : memref<512xf32, #tpu.memory_space<vmem>>, vector<16xf32>,
    }
    %scan3A_451 = arith.constant 32 : i32
    %dma_wait3A_452 = arith.constant 6144 : i32
    %dma_wait3A_453 = tpu.memref_slice %arg8[%dma_wait3A_452] : memref<13312xf32, #tpu.memory_space<vmem>> -> memref<1024xf32, #tpu.memory_space<vmem>>
    %dma_wait3A_454 = arith.constant 6144 : i32
    %dma_wait3A_455 = tpu.memref_slice %arg7[%dma_wait3A_454] : memref<13312xi32, #tpu.memory_space<vmem>> -> memref<1024xi32, #tpu.memory_space<vmem>>
    %dma_wait3A_456 = arith.constant 0 : i32
    %dma_wait3A_457 = tpu.memref_slice %arg11[%dma_wait3A_456] : memref<1000448xf32, #tpu.memory_space<vmem_shared>> -> memref<1000448xf32, #tpu.memory_space<vmem_shared>>
    tpu.wait_indirect_dma semaphore(%arg14 : memref<!tpu.dma_semaphore, #tpu.memory_space<semaphore_mem>>) src(%dma_wait3A_457 : memref<1000448xf32, #tpu.memory_space<vmem_shared>>) dst(%dma_wait3A_453 : memref<1024xf32, #tpu.memory_space<vmem>>)
    %dma_wait3A_458 = arith.constant 16 : i32
    %dma_wait3A_459 = arith.constant 8192 : i32
    %dma_wait3A_460 = tpu.memref_slice %arg7[%dma_wait3A_459] : memref<13312xi32, #tpu.memory_space<vmem>> -> memref<512xi32, #tpu.memory_space<vmem>>
    %dma_wait3A_461 = tpu.memref_slice %arg4[%dma_wait3A_458, %mul3A_2] : memref<26x16384xi32, #tpu.memory_space<hbm>> -> memref<1x512xi32, #tpu.memory_space<hbm>>
    %dma_wait3A_462 = tpu.memref_squeeze %dma_wait3A_461 : memref<1x512xi32, #tpu.memory_space<hbm>> -> memref<512xi32, #tpu.memory_space<hbm>>
    %dma_wait3A_463 = arith.constant 8192 : i32
    %dma_wait3A_464 = tpu.memref_slice %arg7[%dma_wait3A_463] : memref<13312xi32, #tpu.memory_space<vmem>> -> memref<512xi32, #tpu.memory_space<vmem>>
    %dma_wait3A_465 = tpu.memref_slice %arg4[%dma_wait3A_458, %mul3A_2] : memref<26x16384xi32, #tpu.memory_space<hbm>> -> memref<1x512xi32, #tpu.memory_space<hbm>>
    %dma_wait3A_466 = tpu.memref_squeeze %dma_wait3A_465 : memref<1x512xi32, #tpu.memory_space<hbm>> -> memref<512xi32, #tpu.memory_space<hbm>>
    tpu.wait_dma2 semaphore(%arg12 : memref<!tpu.dma_semaphore, #tpu.memory_space<semaphore_mem>>) src(%dma_wait3A_466 : memref<512xi32, #tpu.memory_space<hbm>>) dst(%dma_wait3A_464 : memref<512xi32, #tpu.memory_space<vmem>>)
    %dma_wait3A_467 = arith.constant 17 : i32
    %dma_wait3A_468 = arith.constant 8704 : i32
    %dma_wait3A_469 = tpu.memref_slice %arg7[%dma_wait3A_468] : memref<13312xi32, #tpu.memory_space<vmem>> -> memref<512xi32, #tpu.memory_space<vmem>>
    %dma_wait3A_470 = tpu.memref_slice %arg4[%dma_wait3A_467, %mul3A_2] : memref<26x16384xi32, #tpu.memory_space<hbm>> -> memref<1x512xi32, #tpu.memory_space<hbm>>
    %dma_wait3A_471 = tpu.memref_squeeze %dma_wait3A_470 : memref<1x512xi32, #tpu.memory_space<hbm>> -> memref<512xi32, #tpu.memory_space<hbm>>
    %dma_wait3A_472 = arith.constant 8704 : i32
    %dma_wait3A_473 = tpu.memref_slice %arg7[%dma_wait3A_472] : memref<13312xi32, #tpu.memory_space<vmem>> -> memref<512xi32, #tpu.memory_space<vmem>>
    %dma_wait3A_474 = tpu.memref_slice %arg4[%dma_wait3A_467, %mul3A_2] : memref<26x16384xi32, #tpu.memory_space<hbm>> -> memref<1x512xi32, #tpu.memory_space<hbm>>
    %dma_wait3A_475 = tpu.memref_squeeze %dma_wait3A_474 : memref<1x512xi32, #tpu.memory_space<hbm>> -> memref<512xi32, #tpu.memory_space<hbm>>
    tpu.wait_dma2 semaphore(%arg12 : memref<!tpu.dma_semaphore, #tpu.memory_space<semaphore_mem>>) src(%dma_wait3A_475 : memref<512xi32, #tpu.memory_space<hbm>>) dst(%dma_wait3A_473 : memref<512xi32, #tpu.memory_space<vmem>>)
    %dma_start3A_476 = arith.constant 8192 : i32
    %dma_start3A_477 = tpu.memref_slice %arg8[%dma_start3A_476] : memref<13312xf32, #tpu.memory_space<vmem>> -> memref<1024xf32, #tpu.memory_space<vmem>>
    %dma_start3A_478 = arith.constant 8192 : i32
    %dma_start3A_479 = tpu.memref_slice %arg7[%dma_start3A_478] : memref<13312xi32, #tpu.memory_space<vmem>> -> memref<1024xi32, #tpu.memory_space<vmem>>
    %dma_start3A_480 = arith.constant 0 : i32
    %dma_start3A_481 = tpu.memref_slice %arg11[%dma_start3A_480] : memref<1000448xf32, #tpu.memory_space<vmem_shared>> -> memref<1000448xf32, #tpu.memory_space<vmem_shared>>
    tpu.enqueue_indirect_dma source(%dma_start3A_481 : memref<1000448xf32, #tpu.memory_space<vmem_shared>>) target(%dma_start3A_477 : memref<1024xf32, #tpu.memory_space<vmem>>) offsets(%dma_start3A_479 : memref<1024xi32, #tpu.memory_space<vmem>>) semaphore(%arg14 : memref<!tpu.dma_semaphore, #tpu.memory_space<semaphore_mem>>)
    %dma_start3A_482 = arith.constant 20 : i32
    %dma_start3A_483 = arith.constant 10240 : i32
    %dma_start3A_484 = tpu.memref_slice %arg7[%dma_start3A_483] : memref<13312xi32, #tpu.memory_space<vmem>> -> memref<512xi32, #tpu.memory_space<vmem>>
    %dma_start3A_485 = tpu.memref_slice %arg4[%dma_start3A_482, %mul3A_2] : memref<26x16384xi32, #tpu.memory_space<hbm>> -> memref<1x512xi32, #tpu.memory_space<hbm>>
    %dma_start3A_486 = tpu.memref_squeeze %dma_start3A_485 : memref<1x512xi32, #tpu.memory_space<hbm>> -> memref<512xi32, #tpu.memory_space<hbm>>
    %dma_start3A_487 = arith.constant 10240 : i32
    %dma_start3A_488 = tpu.memref_slice %arg7[%dma_start3A_487] : memref<13312xi32, #tpu.memory_space<vmem>> -> memref<512xi32, #tpu.memory_space<vmem>>
    %dma_start3A_489 = tpu.memref_slice %arg4[%dma_start3A_482, %mul3A_2] : memref<26x16384xi32, #tpu.memory_space<hbm>> -> memref<1x512xi32, #tpu.memory_space<hbm>>
    %dma_start3A_490 = tpu.memref_squeeze %dma_start3A_489 : memref<1x512xi32, #tpu.memory_space<hbm>> -> memref<512xi32, #tpu.memory_space<hbm>>
    tpu.enqueue_dma source(%dma_start3A_490 : memref<512xi32, #tpu.memory_space<hbm>>) target(%dma_start3A_488 : memref<512xi32, #tpu.memory_space<vmem>>) target_semaphore(%arg12 : memref<!tpu.dma_semaphore, #tpu.memory_space<semaphore_mem>>)
    %dma_start3A_491 = arith.constant 21 : i32
    %dma_start3A_492 = arith.constant 10752 : i32
    %dma_start3A_493 = tpu.memref_slice %arg7[%dma_start3A_492] : memref<13312xi32, #tpu.memory_space<vmem>> -> memref<512xi32, #tpu.memory_space<vmem>>
    %dma_start3A_494 = tpu.memref_slice %arg4[%dma_start3A_491, %mul3A_2] : memref<26x16384xi32, #tpu.memory_space<hbm>> -> memref<1x512xi32, #tpu.memory_space<hbm>>
    %dma_start3A_495 = tpu.memref_squeeze %dma_start3A_494 : memref<1x512xi32, #tpu.memory_space<hbm>> -> memref<512xi32, #tpu.memory_space<hbm>>
    %dma_start3A_496 = arith.constant 10752 : i32
    %dma_start3A_497 = tpu.memref_slice %arg7[%dma_start3A_496] : memref<13312xi32, #tpu.memory_space<vmem>> -> memref<512xi32, #tpu.memory_space<vmem>>
    %dma_start3A_498 = tpu.memref_slice %arg4[%dma_start3A_491, %mul3A_2] : memref<26x16384xi32, #tpu.memory_space<hbm>> -> memref<1x512xi32, #tpu.memory_space<hbm>>
    %dma_start3A_499 = tpu.memref_squeeze %dma_start3A_498 : memref<1x512xi32, #tpu.memory_space<hbm>> -> memref<512xi32, #tpu.memory_space<hbm>>
    tpu.enqueue_dma source(%dma_start3A_499 : memref<512xi32, #tpu.memory_space<hbm>>) target(%dma_start3A_497 : memref<512xi32, #tpu.memory_space<vmem>>) target_semaphore(%arg12 : memref<!tpu.dma_semaphore, #tpu.memory_space<semaphore_mem>>)
    %scan3A_500 = arith.constant 0 : i32
    %scan3A_501 = arith.constant 32 : i32
    %scan3A_502 = arith.addi %scan3A_500, %scan3A_501 : i32
    %scan3A_503 = arith.constant 1 : i32
    scf.for %scan3A_703 = %scan3A_500 to %scan3A_502 step %scan3A_503  : i32 {
      %mul3A_704 = arith.constant 16 : i32
      %mul3A_705 = arith.muli %scan3A_703, %mul3A_704 : i32
      %get3A_706 = arith.index_cast %mul3A_705 : i32 to index
      %get3A_707 = tpu.vector_load %arg9[%get3A_706] {strides = array<i32>} : memref<512xf32, #tpu.memory_space<vmem>>, vector<16xf32>,
      %get3A_708 = vector.shape_cast %get3A_707 : vector<16xf32> to vector<16xf32>
      %add3A_709 = arith.constant 6144 : i32
      %add3A_710 = arith.addi %add3A_709, %mul3A_705 : i32
      %get3A_711 = arith.index_cast %add3A_710 : i32 to index
      %get3A_712 = tpu.vector_load %arg8[%get3A_711] {strides = array<i32>} : memref<13312xf32, #tpu.memory_space<vmem>>, vector<16xf32>,
      %get3A_713 = vector.shape_cast %get3A_712 : vector<16xf32> to vector<16xf32>
      %add3A_714 = arith.addf %get3A_708, %get3A_713 : vector<16xf32>
      %add3A_715 = arith.constant 6656 : i32
      %add3A_716 = arith.addi %add3A_715, %mul3A_705 : i32
      %get3A_717 = arith.index_cast %add3A_716 : i32 to index
      %get3A_718 = tpu.vector_load %arg8[%get3A_717] {strides = array<i32>} : memref<13312xf32, #tpu.memory_space<vmem>>, vector<16xf32>,
      %get3A_719 = vector.shape_cast %get3A_718 : vector<16xf32> to vector<16xf32>
      %add3A_720 = arith.addf %add3A_714, %get3A_719 : vector<16xf32>
      %swap3A = arith.index_cast %mul3A_705 : i32 to index
      %swap3A_721 = tpu.vector_load %arg9[%swap3A] {strides = array<i32>} : memref<512xf32, #tpu.memory_space<vmem>>, vector<16xf32>,
      %swap3A_722 = vector.shape_cast %swap3A_721 : vector<16xf32> to vector<16xf32>
      %swap3A_723 = vector.shape_cast %add3A_720 : vector<16xf32> to vector<16xf32>
      tpu.vector_store %arg9[%swap3A], %swap3A_723 {strides = array<i32>} : memref<512xf32, #tpu.memory_space<vmem>>, vector<16xf32>,
    }
    %scan3A_504 = arith.constant 32 : i32
    %dma_wait3A_505 = arith.constant 7168 : i32
    %dma_wait3A_506 = tpu.memref_slice %arg8[%dma_wait3A_505] : memref<13312xf32, #tpu.memory_space<vmem>> -> memref<1024xf32, #tpu.memory_space<vmem>>
    %dma_wait3A_507 = arith.constant 7168 : i32
    %dma_wait3A_508 = tpu.memref_slice %arg7[%dma_wait3A_507] : memref<13312xi32, #tpu.memory_space<vmem>> -> memref<1024xi32, #tpu.memory_space<vmem>>
    %dma_wait3A_509 = arith.constant 0 : i32
    %dma_wait3A_510 = tpu.memref_slice %arg11[%dma_wait3A_509] : memref<1000448xf32, #tpu.memory_space<vmem_shared>> -> memref<1000448xf32, #tpu.memory_space<vmem_shared>>
    tpu.wait_indirect_dma semaphore(%arg15 : memref<!tpu.dma_semaphore, #tpu.memory_space<semaphore_mem>>) src(%dma_wait3A_510 : memref<1000448xf32, #tpu.memory_space<vmem_shared>>) dst(%dma_wait3A_506 : memref<1024xf32, #tpu.memory_space<vmem>>)
    %dma_wait3A_511 = arith.constant 18 : i32
    %dma_wait3A_512 = arith.constant 9216 : i32
    %dma_wait3A_513 = tpu.memref_slice %arg7[%dma_wait3A_512] : memref<13312xi32, #tpu.memory_space<vmem>> -> memref<512xi32, #tpu.memory_space<vmem>>
    %dma_wait3A_514 = tpu.memref_slice %arg4[%dma_wait3A_511, %mul3A_2] : memref<26x16384xi32, #tpu.memory_space<hbm>> -> memref<1x512xi32, #tpu.memory_space<hbm>>
    %dma_wait3A_515 = tpu.memref_squeeze %dma_wait3A_514 : memref<1x512xi32, #tpu.memory_space<hbm>> -> memref<512xi32, #tpu.memory_space<hbm>>
    %dma_wait3A_516 = arith.constant 9216 : i32
    %dma_wait3A_517 = tpu.memref_slice %arg7[%dma_wait3A_516] : memref<13312xi32, #tpu.memory_space<vmem>> -> memref<512xi32, #tpu.memory_space<vmem>>
    %dma_wait3A_518 = tpu.memref_slice %arg4[%dma_wait3A_511, %mul3A_2] : memref<26x16384xi32, #tpu.memory_space<hbm>> -> memref<1x512xi32, #tpu.memory_space<hbm>>
    %dma_wait3A_519 = tpu.memref_squeeze %dma_wait3A_518 : memref<1x512xi32, #tpu.memory_space<hbm>> -> memref<512xi32, #tpu.memory_space<hbm>>
    tpu.wait_dma2 semaphore(%arg13 : memref<!tpu.dma_semaphore, #tpu.memory_space<semaphore_mem>>) src(%dma_wait3A_519 : memref<512xi32, #tpu.memory_space<hbm>>) dst(%dma_wait3A_517 : memref<512xi32, #tpu.memory_space<vmem>>)
    %dma_wait3A_520 = arith.constant 19 : i32
    %dma_wait3A_521 = arith.constant 9728 : i32
    %dma_wait3A_522 = tpu.memref_slice %arg7[%dma_wait3A_521] : memref<13312xi32, #tpu.memory_space<vmem>> -> memref<512xi32, #tpu.memory_space<vmem>>
    %dma_wait3A_523 = tpu.memref_slice %arg4[%dma_wait3A_520, %mul3A_2] : memref<26x16384xi32, #tpu.memory_space<hbm>> -> memref<1x512xi32, #tpu.memory_space<hbm>>
    %dma_wait3A_524 = tpu.memref_squeeze %dma_wait3A_523 : memref<1x512xi32, #tpu.memory_space<hbm>> -> memref<512xi32, #tpu.memory_space<hbm>>
    %dma_wait3A_525 = arith.constant 9728 : i32
    %dma_wait3A_526 = tpu.memref_slice %arg7[%dma_wait3A_525] : memref<13312xi32, #tpu.memory_space<vmem>> -> memref<512xi32, #tpu.memory_space<vmem>>
    %dma_wait3A_527 = tpu.memref_slice %arg4[%dma_wait3A_520, %mul3A_2] : memref<26x16384xi32, #tpu.memory_space<hbm>> -> memref<1x512xi32, #tpu.memory_space<hbm>>
    %dma_wait3A_528 = tpu.memref_squeeze %dma_wait3A_527 : memref<1x512xi32, #tpu.memory_space<hbm>> -> memref<512xi32, #tpu.memory_space<hbm>>
    tpu.wait_dma2 semaphore(%arg13 : memref<!tpu.dma_semaphore, #tpu.memory_space<semaphore_mem>>) src(%dma_wait3A_528 : memref<512xi32, #tpu.memory_space<hbm>>) dst(%dma_wait3A_526 : memref<512xi32, #tpu.memory_space<vmem>>)
    %dma_start3A_529 = arith.constant 9216 : i32
    %dma_start3A_530 = tpu.memref_slice %arg8[%dma_start3A_529] : memref<13312xf32, #tpu.memory_space<vmem>> -> memref<1024xf32, #tpu.memory_space<vmem>>
    %dma_start3A_531 = arith.constant 9216 : i32
    %dma_start3A_532 = tpu.memref_slice %arg7[%dma_start3A_531] : memref<13312xi32, #tpu.memory_space<vmem>> -> memref<1024xi32, #tpu.memory_space<vmem>>
    %dma_start3A_533 = arith.constant 0 : i32
    %dma_start3A_534 = tpu.memref_slice %arg11[%dma_start3A_533] : memref<1000448xf32, #tpu.memory_space<vmem_shared>> -> memref<1000448xf32, #tpu.memory_space<vmem_shared>>
    tpu.enqueue_indirect_dma source(%dma_start3A_534 : memref<1000448xf32, #tpu.memory_space<vmem_shared>>) target(%dma_start3A_530 : memref<1024xf32, #tpu.memory_space<vmem>>) offsets(%dma_start3A_532 : memref<1024xi32, #tpu.memory_space<vmem>>) semaphore(%arg15 : memref<!tpu.dma_semaphore, #tpu.memory_space<semaphore_mem>>)
    %dma_start3A_535 = arith.constant 22 : i32
    %dma_start3A_536 = arith.constant 11264 : i32
    %dma_start3A_537 = tpu.memref_slice %arg7[%dma_start3A_536] : memref<13312xi32, #tpu.memory_space<vmem>> -> memref<512xi32, #tpu.memory_space<vmem>>
    %dma_start3A_538 = tpu.memref_slice %arg4[%dma_start3A_535, %mul3A_2] : memref<26x16384xi32, #tpu.memory_space<hbm>> -> memref<1x512xi32, #tpu.memory_space<hbm>>
    %dma_start3A_539 = tpu.memref_squeeze %dma_start3A_538 : memref<1x512xi32, #tpu.memory_space<hbm>> -> memref<512xi32, #tpu.memory_space<hbm>>
    %dma_start3A_540 = arith.constant 11264 : i32
    %dma_start3A_541 = tpu.memref_slice %arg7[%dma_start3A_540] : memref<13312xi32, #tpu.memory_space<vmem>> -> memref<512xi32, #tpu.memory_space<vmem>>
    %dma_start3A_542 = tpu.memref_slice %arg4[%dma_start3A_535, %mul3A_2] : memref<26x16384xi32, #tpu.memory_space<hbm>> -> memref<1x512xi32, #tpu.memory_space<hbm>>
    %dma_start3A_543 = tpu.memref_squeeze %dma_start3A_542 : memref<1x512xi32, #tpu.memory_space<hbm>> -> memref<512xi32, #tpu.memory_space<hbm>>
    tpu.enqueue_dma source(%dma_start3A_543 : memref<512xi32, #tpu.memory_space<hbm>>) target(%dma_start3A_541 : memref<512xi32, #tpu.memory_space<vmem>>) target_semaphore(%arg13 : memref<!tpu.dma_semaphore, #tpu.memory_space<semaphore_mem>>)
    %dma_start3A_544 = arith.constant 23 : i32
    %dma_start3A_545 = arith.constant 11776 : i32
    %dma_start3A_546 = tpu.memref_slice %arg7[%dma_start3A_545] : memref<13312xi32, #tpu.memory_space<vmem>> -> memref<512xi32, #tpu.memory_space<vmem>>
    %dma_start3A_547 = tpu.memref_slice %arg4[%dma_start3A_544, %mul3A_2] : memref<26x16384xi32, #tpu.memory_space<hbm>> -> memref<1x512xi32, #tpu.memory_space<hbm>>
    %dma_start3A_548 = tpu.memref_squeeze %dma_start3A_547 : memref<1x512xi32, #tpu.memory_space<hbm>> -> memref<512xi32, #tpu.memory_space<hbm>>
    %dma_start3A_549 = arith.constant 11776 : i32
    %dma_start3A_550 = tpu.memref_slice %arg7[%dma_start3A_549] : memref<13312xi32, #tpu.memory_space<vmem>> -> memref<512xi32, #tpu.memory_space<vmem>>
    %dma_start3A_551 = tpu.memref_slice %arg4[%dma_start3A_544, %mul3A_2] : memref<26x16384xi32, #tpu.memory_space<hbm>> -> memref<1x512xi32, #tpu.memory_space<hbm>>
    %dma_start3A_552 = tpu.memref_squeeze %dma_start3A_551 : memref<1x512xi32, #tpu.memory_space<hbm>> -> memref<512xi32, #tpu.memory_space<hbm>>
    tpu.enqueue_dma source(%dma_start3A_552 : memref<512xi32, #tpu.memory_space<hbm>>) target(%dma_start3A_550 : memref<512xi32, #tpu.memory_space<vmem>>) target_semaphore(%arg13 : memref<!tpu.dma_semaphore, #tpu.memory_space<semaphore_mem>>)
    %scan3A_553 = arith.constant 0 : i32
    %scan3A_554 = arith.constant 32 : i32
    %scan3A_555 = arith.addi %scan3A_553, %scan3A_554 : i32
    %scan3A_556 = arith.constant 1 : i32
    scf.for %scan3A_703 = %scan3A_553 to %scan3A_555 step %scan3A_556  : i32 {
      %mul3A_704 = arith.constant 16 : i32
      %mul3A_705 = arith.muli %scan3A_703, %mul3A_704 : i32
      %get3A_706 = arith.index_cast %mul3A_705 : i32 to index
      %get3A_707 = tpu.vector_load %arg9[%get3A_706] {strides = array<i32>} : memref<512xf32, #tpu.memory_space<vmem>>, vector<16xf32>,
      %get3A_708 = vector.shape_cast %get3A_707 : vector<16xf32> to vector<16xf32>
      %add3A_709 = arith.constant 7168 : i32
      %add3A_710 = arith.addi %add3A_709, %mul3A_705 : i32
      %get3A_711 = arith.index_cast %add3A_710 : i32 to index
      %get3A_712 = tpu.vector_load %arg8[%get3A_711] {strides = array<i32>} : memref<13312xf32, #tpu.memory_space<vmem>>, vector<16xf32>,
      %get3A_713 = vector.shape_cast %get3A_712 : vector<16xf32> to vector<16xf32>
      %add3A_714 = arith.addf %get3A_708, %get3A_713 : vector<16xf32>
      %add3A_715 = arith.constant 7680 : i32
      %add3A_716 = arith.addi %add3A_715, %mul3A_705 : i32
      %get3A_717 = arith.index_cast %add3A_716 : i32 to index
      %get3A_718 = tpu.vector_load %arg8[%get3A_717] {strides = array<i32>} : memref<13312xf32, #tpu.memory_space<vmem>>, vector<16xf32>,
      %get3A_719 = vector.shape_cast %get3A_718 : vector<16xf32> to vector<16xf32>
      %add3A_720 = arith.addf %add3A_714, %get3A_719 : vector<16xf32>
      %swap3A = arith.index_cast %mul3A_705 : i32 to index
      %swap3A_721 = tpu.vector_load %arg9[%swap3A] {strides = array<i32>} : memref<512xf32, #tpu.memory_space<vmem>>, vector<16xf32>,
      %swap3A_722 = vector.shape_cast %swap3A_721 : vector<16xf32> to vector<16xf32>
      %swap3A_723 = vector.shape_cast %add3A_720 : vector<16xf32> to vector<16xf32>
      tpu.vector_store %arg9[%swap3A], %swap3A_723 {strides = array<i32>} : memref<512xf32, #tpu.memory_space<vmem>>, vector<16xf32>,
    }
    %scan3A_557 = arith.constant 32 : i32
    %dma_wait3A_558 = arith.constant 8192 : i32
    %dma_wait3A_559 = tpu.memref_slice %arg8[%dma_wait3A_558] : memref<13312xf32, #tpu.memory_space<vmem>> -> memref<1024xf32, #tpu.memory_space<vmem>>
    %dma_wait3A_560 = arith.constant 8192 : i32
    %dma_wait3A_561 = tpu.memref_slice %arg7[%dma_wait3A_560] : memref<13312xi32, #tpu.memory_space<vmem>> -> memref<1024xi32, #tpu.memory_space<vmem>>
    %dma_wait3A_562 = arith.constant 0 : i32
    %dma_wait3A_563 = tpu.memref_slice %arg11[%dma_wait3A_562] : memref<1000448xf32, #tpu.memory_space<vmem_shared>> -> memref<1000448xf32, #tpu.memory_space<vmem_shared>>
    tpu.wait_indirect_dma semaphore(%arg14 : memref<!tpu.dma_semaphore, #tpu.memory_space<semaphore_mem>>) src(%dma_wait3A_563 : memref<1000448xf32, #tpu.memory_space<vmem_shared>>) dst(%dma_wait3A_559 : memref<1024xf32, #tpu.memory_space<vmem>>)
    %dma_wait3A_564 = arith.constant 20 : i32
    %dma_wait3A_565 = arith.constant 10240 : i32
    %dma_wait3A_566 = tpu.memref_slice %arg7[%dma_wait3A_565] : memref<13312xi32, #tpu.memory_space<vmem>> -> memref<512xi32, #tpu.memory_space<vmem>>
    %dma_wait3A_567 = tpu.memref_slice %arg4[%dma_wait3A_564, %mul3A_2] : memref<26x16384xi32, #tpu.memory_space<hbm>> -> memref<1x512xi32, #tpu.memory_space<hbm>>
    %dma_wait3A_568 = tpu.memref_squeeze %dma_wait3A_567 : memref<1x512xi32, #tpu.memory_space<hbm>> -> memref<512xi32, #tpu.memory_space<hbm>>
    %dma_wait3A_569 = arith.constant 10240 : i32
    %dma_wait3A_570 = tpu.memref_slice %arg7[%dma_wait3A_569] : memref<13312xi32, #tpu.memory_space<vmem>> -> memref<512xi32, #tpu.memory_space<vmem>>
    %dma_wait3A_571 = tpu.memref_slice %arg4[%dma_wait3A_564, %mul3A_2] : memref<26x16384xi32, #tpu.memory_space<hbm>> -> memref<1x512xi32, #tpu.memory_space<hbm>>
    %dma_wait3A_572 = tpu.memref_squeeze %dma_wait3A_571 : memref<1x512xi32, #tpu.memory_space<hbm>> -> memref<512xi32, #tpu.memory_space<hbm>>
    tpu.wait_dma2 semaphore(%arg12 : memref<!tpu.dma_semaphore, #tpu.memory_space<semaphore_mem>>) src(%dma_wait3A_572 : memref<512xi32, #tpu.memory_space<hbm>>) dst(%dma_wait3A_570 : memref<512xi32, #tpu.memory_space<vmem>>)
    %dma_wait3A_573 = arith.constant 21 : i32
    %dma_wait3A_574 = arith.constant 10752 : i32
    %dma_wait3A_575 = tpu.memref_slice %arg7[%dma_wait3A_574] : memref<13312xi32, #tpu.memory_space<vmem>> -> memref<512xi32, #tpu.memory_space<vmem>>
    %dma_wait3A_576 = tpu.memref_slice %arg4[%dma_wait3A_573, %mul3A_2] : memref<26x16384xi32, #tpu.memory_space<hbm>> -> memref<1x512xi32, #tpu.memory_space<hbm>>
    %dma_wait3A_577 = tpu.memref_squeeze %dma_wait3A_576 : memref<1x512xi32, #tpu.memory_space<hbm>> -> memref<512xi32, #tpu.memory_space<hbm>>
    %dma_wait3A_578 = arith.constant 10752 : i32
    %dma_wait3A_579 = tpu.memref_slice %arg7[%dma_wait3A_578] : memref<13312xi32, #tpu.memory_space<vmem>> -> memref<512xi32, #tpu.memory_space<vmem>>
    %dma_wait3A_580 = tpu.memref_slice %arg4[%dma_wait3A_573, %mul3A_2] : memref<26x16384xi32, #tpu.memory_space<hbm>> -> memref<1x512xi32, #tpu.memory_space<hbm>>
    %dma_wait3A_581 = tpu.memref_squeeze %dma_wait3A_580 : memref<1x512xi32, #tpu.memory_space<hbm>> -> memref<512xi32, #tpu.memory_space<hbm>>
    tpu.wait_dma2 semaphore(%arg12 : memref<!tpu.dma_semaphore, #tpu.memory_space<semaphore_mem>>) src(%dma_wait3A_581 : memref<512xi32, #tpu.memory_space<hbm>>) dst(%dma_wait3A_579 : memref<512xi32, #tpu.memory_space<vmem>>)
    %dma_start3A_582 = arith.constant 10240 : i32
    %dma_start3A_583 = tpu.memref_slice %arg8[%dma_start3A_582] : memref<13312xf32, #tpu.memory_space<vmem>> -> memref<1024xf32, #tpu.memory_space<vmem>>
    %dma_start3A_584 = arith.constant 10240 : i32
    %dma_start3A_585 = tpu.memref_slice %arg7[%dma_start3A_584] : memref<13312xi32, #tpu.memory_space<vmem>> -> memref<1024xi32, #tpu.memory_space<vmem>>
    %dma_start3A_586 = arith.constant 0 : i32
    %dma_start3A_587 = tpu.memref_slice %arg11[%dma_start3A_586] : memref<1000448xf32, #tpu.memory_space<vmem_shared>> -> memref<1000448xf32, #tpu.memory_space<vmem_shared>>
    tpu.enqueue_indirect_dma source(%dma_start3A_587 : memref<1000448xf32, #tpu.memory_space<vmem_shared>>) target(%dma_start3A_583 : memref<1024xf32, #tpu.memory_space<vmem>>) offsets(%dma_start3A_585 : memref<1024xi32, #tpu.memory_space<vmem>>) semaphore(%arg14 : memref<!tpu.dma_semaphore, #tpu.memory_space<semaphore_mem>>)
    %dma_start3A_588 = arith.constant 24 : i32
    %dma_start3A_589 = arith.constant 12288 : i32
    %dma_start3A_590 = tpu.memref_slice %arg7[%dma_start3A_589] : memref<13312xi32, #tpu.memory_space<vmem>> -> memref<512xi32, #tpu.memory_space<vmem>>
    %dma_start3A_591 = tpu.memref_slice %arg4[%dma_start3A_588, %mul3A_2] : memref<26x16384xi32, #tpu.memory_space<hbm>> -> memref<1x512xi32, #tpu.memory_space<hbm>>
    %dma_start3A_592 = tpu.memref_squeeze %dma_start3A_591 : memref<1x512xi32, #tpu.memory_space<hbm>> -> memref<512xi32, #tpu.memory_space<hbm>>
    %dma_start3A_593 = arith.constant 12288 : i32
    %dma_start3A_594 = tpu.memref_slice %arg7[%dma_start3A_593] : memref<13312xi32, #tpu.memory_space<vmem>> -> memref<512xi32, #tpu.memory_space<vmem>>
    %dma_start3A_595 = tpu.memref_slice %arg4[%dma_start3A_588, %mul3A_2] : memref<26x16384xi32, #tpu.memory_space<hbm>> -> memref<1x512xi32, #tpu.memory_space<hbm>>
    %dma_start3A_596 = tpu.memref_squeeze %dma_start3A_595 : memref<1x512xi32, #tpu.memory_space<hbm>> -> memref<512xi32, #tpu.memory_space<hbm>>
    tpu.enqueue_dma source(%dma_start3A_596 : memref<512xi32, #tpu.memory_space<hbm>>) target(%dma_start3A_594 : memref<512xi32, #tpu.memory_space<vmem>>) target_semaphore(%arg12 : memref<!tpu.dma_semaphore, #tpu.memory_space<semaphore_mem>>)
    %dma_start3A_597 = arith.constant 25 : i32
    %dma_start3A_598 = arith.constant 12800 : i32
    %dma_start3A_599 = tpu.memref_slice %arg7[%dma_start3A_598] : memref<13312xi32, #tpu.memory_space<vmem>> -> memref<512xi32, #tpu.memory_space<vmem>>
    %dma_start3A_600 = tpu.memref_slice %arg4[%dma_start3A_597, %mul3A_2] : memref<26x16384xi32, #tpu.memory_space<hbm>> -> memref<1x512xi32, #tpu.memory_space<hbm>>
    %dma_start3A_601 = tpu.memref_squeeze %dma_start3A_600 : memref<1x512xi32, #tpu.memory_space<hbm>> -> memref<512xi32, #tpu.memory_space<hbm>>
    %dma_start3A_602 = arith.constant 12800 : i32
    %dma_start3A_603 = tpu.memref_slice %arg7[%dma_start3A_602] : memref<13312xi32, #tpu.memory_space<vmem>> -> memref<512xi32, #tpu.memory_space<vmem>>
    %dma_start3A_604 = tpu.memref_slice %arg4[%dma_start3A_597, %mul3A_2] : memref<26x16384xi32, #tpu.memory_space<hbm>> -> memref<1x512xi32, #tpu.memory_space<hbm>>
    %dma_start3A_605 = tpu.memref_squeeze %dma_start3A_604 : memref<1x512xi32, #tpu.memory_space<hbm>> -> memref<512xi32, #tpu.memory_space<hbm>>
    tpu.enqueue_dma source(%dma_start3A_605 : memref<512xi32, #tpu.memory_space<hbm>>) target(%dma_start3A_603 : memref<512xi32, #tpu.memory_space<vmem>>) target_semaphore(%arg12 : memref<!tpu.dma_semaphore, #tpu.memory_space<semaphore_mem>>)
    %scan3A_606 = arith.constant 0 : i32
    %scan3A_607 = arith.constant 32 : i32
    %scan3A_608 = arith.addi %scan3A_606, %scan3A_607 : i32
    %scan3A_609 = arith.constant 1 : i32
    scf.for %scan3A_703 = %scan3A_606 to %scan3A_608 step %scan3A_609  : i32 {
      %mul3A_704 = arith.constant 16 : i32
      %mul3A_705 = arith.muli %scan3A_703, %mul3A_704 : i32
      %get3A_706 = arith.index_cast %mul3A_705 : i32 to index
      %get3A_707 = tpu.vector_load %arg9[%get3A_706] {strides = array<i32>} : memref<512xf32, #tpu.memory_space<vmem>>, vector<16xf32>,
      %get3A_708 = vector.shape_cast %get3A_707 : vector<16xf32> to vector<16xf32>
      %add3A_709 = arith.constant 8192 : i32
      %add3A_710 = arith.addi %add3A_709, %mul3A_705 : i32
      %get3A_711 = arith.index_cast %add3A_710 : i32 to index
      %get3A_712 = tpu.vector_load %arg8[%get3A_711] {strides = array<i32>} : memref<13312xf32, #tpu.memory_space<vmem>>, vector<16xf32>,
      %get3A_713 = vector.shape_cast %get3A_712 : vector<16xf32> to vector<16xf32>
      %add3A_714 = arith.addf %get3A_708, %get3A_713 : vector<16xf32>
      %add3A_715 = arith.constant 8704 : i32
      %add3A_716 = arith.addi %add3A_715, %mul3A_705 : i32
      %get3A_717 = arith.index_cast %add3A_716 : i32 to index
      %get3A_718 = tpu.vector_load %arg8[%get3A_717] {strides = array<i32>} : memref<13312xf32, #tpu.memory_space<vmem>>, vector<16xf32>,
      %get3A_719 = vector.shape_cast %get3A_718 : vector<16xf32> to vector<16xf32>
      %add3A_720 = arith.addf %add3A_714, %get3A_719 : vector<16xf32>
      %swap3A = arith.index_cast %mul3A_705 : i32 to index
      %swap3A_721 = tpu.vector_load %arg9[%swap3A] {strides = array<i32>} : memref<512xf32, #tpu.memory_space<vmem>>, vector<16xf32>,
      %swap3A_722 = vector.shape_cast %swap3A_721 : vector<16xf32> to vector<16xf32>
      %swap3A_723 = vector.shape_cast %add3A_720 : vector<16xf32> to vector<16xf32>
      tpu.vector_store %arg9[%swap3A], %swap3A_723 {strides = array<i32>} : memref<512xf32, #tpu.memory_space<vmem>>, vector<16xf32>,
    }
    %scan3A_610 = arith.constant 32 : i32
    %dma_wait3A_611 = arith.constant 9216 : i32
    %dma_wait3A_612 = tpu.memref_slice %arg8[%dma_wait3A_611] : memref<13312xf32, #tpu.memory_space<vmem>> -> memref<1024xf32, #tpu.memory_space<vmem>>
    %dma_wait3A_613 = arith.constant 9216 : i32
    %dma_wait3A_614 = tpu.memref_slice %arg7[%dma_wait3A_613] : memref<13312xi32, #tpu.memory_space<vmem>> -> memref<1024xi32, #tpu.memory_space<vmem>>
    %dma_wait3A_615 = arith.constant 0 : i32
    %dma_wait3A_616 = tpu.memref_slice %arg11[%dma_wait3A_615] : memref<1000448xf32, #tpu.memory_space<vmem_shared>> -> memref<1000448xf32, #tpu.memory_space<vmem_shared>>
    tpu.wait_indirect_dma semaphore(%arg15 : memref<!tpu.dma_semaphore, #tpu.memory_space<semaphore_mem>>) src(%dma_wait3A_616 : memref<1000448xf32, #tpu.memory_space<vmem_shared>>) dst(%dma_wait3A_612 : memref<1024xf32, #tpu.memory_space<vmem>>)
    %dma_wait3A_617 = arith.constant 22 : i32
    %dma_wait3A_618 = arith.constant 11264 : i32
    %dma_wait3A_619 = tpu.memref_slice %arg7[%dma_wait3A_618] : memref<13312xi32, #tpu.memory_space<vmem>> -> memref<512xi32, #tpu.memory_space<vmem>>
    %dma_wait3A_620 = tpu.memref_slice %arg4[%dma_wait3A_617, %mul3A_2] : memref<26x16384xi32, #tpu.memory_space<hbm>> -> memref<1x512xi32, #tpu.memory_space<hbm>>
    %dma_wait3A_621 = tpu.memref_squeeze %dma_wait3A_620 : memref<1x512xi32, #tpu.memory_space<hbm>> -> memref<512xi32, #tpu.memory_space<hbm>>
    %dma_wait3A_622 = arith.constant 11264 : i32
    %dma_wait3A_623 = tpu.memref_slice %arg7[%dma_wait3A_622] : memref<13312xi32, #tpu.memory_space<vmem>> -> memref<512xi32, #tpu.memory_space<vmem>>
    %dma_wait3A_624 = tpu.memref_slice %arg4[%dma_wait3A_617, %mul3A_2] : memref<26x16384xi32, #tpu.memory_space<hbm>> -> memref<1x512xi32, #tpu.memory_space<hbm>>
    %dma_wait3A_625 = tpu.memref_squeeze %dma_wait3A_624 : memref<1x512xi32, #tpu.memory_space<hbm>> -> memref<512xi32, #tpu.memory_space<hbm>>
    tpu.wait_dma2 semaphore(%arg13 : memref<!tpu.dma_semaphore, #tpu.memory_space<semaphore_mem>>) src(%dma_wait3A_625 : memref<512xi32, #tpu.memory_space<hbm>>) dst(%dma_wait3A_623 : memref<512xi32, #tpu.memory_space<vmem>>)
    %dma_wait3A_626 = arith.constant 23 : i32
    %dma_wait3A_627 = arith.constant 11776 : i32
    %dma_wait3A_628 = tpu.memref_slice %arg7[%dma_wait3A_627] : memref<13312xi32, #tpu.memory_space<vmem>> -> memref<512xi32, #tpu.memory_space<vmem>>
    %dma_wait3A_629 = tpu.memref_slice %arg4[%dma_wait3A_626, %mul3A_2] : memref<26x16384xi32, #tpu.memory_space<hbm>> -> memref<1x512xi32, #tpu.memory_space<hbm>>
    %dma_wait3A_630 = tpu.memref_squeeze %dma_wait3A_629 : memref<1x512xi32, #tpu.memory_space<hbm>> -> memref<512xi32, #tpu.memory_space<hbm>>
    %dma_wait3A_631 = arith.constant 11776 : i32
    %dma_wait3A_632 = tpu.memref_slice %arg7[%dma_wait3A_631] : memref<13312xi32, #tpu.memory_space<vmem>> -> memref<512xi32, #tpu.memory_space<vmem>>
    %dma_wait3A_633 = tpu.memref_slice %arg4[%dma_wait3A_626, %mul3A_2] : memref<26x16384xi32, #tpu.memory_space<hbm>> -> memref<1x512xi32, #tpu.memory_space<hbm>>
    %dma_wait3A_634 = tpu.memref_squeeze %dma_wait3A_633 : memref<1x512xi32, #tpu.memory_space<hbm>> -> memref<512xi32, #tpu.memory_space<hbm>>
    tpu.wait_dma2 semaphore(%arg13 : memref<!tpu.dma_semaphore, #tpu.memory_space<semaphore_mem>>) src(%dma_wait3A_634 : memref<512xi32, #tpu.memory_space<hbm>>) dst(%dma_wait3A_632 : memref<512xi32, #tpu.memory_space<vmem>>)
    %dma_start3A_635 = arith.constant 11264 : i32
    %dma_start3A_636 = tpu.memref_slice %arg8[%dma_start3A_635] : memref<13312xf32, #tpu.memory_space<vmem>> -> memref<1024xf32, #tpu.memory_space<vmem>>
    %dma_start3A_637 = arith.constant 11264 : i32
    %dma_start3A_638 = tpu.memref_slice %arg7[%dma_start3A_637] : memref<13312xi32, #tpu.memory_space<vmem>> -> memref<1024xi32, #tpu.memory_space<vmem>>
    %dma_start3A_639 = arith.constant 0 : i32
    %dma_start3A_640 = tpu.memref_slice %arg11[%dma_start3A_639] : memref<1000448xf32, #tpu.memory_space<vmem_shared>> -> memref<1000448xf32, #tpu.memory_space<vmem_shared>>
    tpu.enqueue_indirect_dma source(%dma_start3A_640 : memref<1000448xf32, #tpu.memory_space<vmem_shared>>) target(%dma_start3A_636 : memref<1024xf32, #tpu.memory_space<vmem>>) offsets(%dma_start3A_638 : memref<1024xi32, #tpu.memory_space<vmem>>) semaphore(%arg15 : memref<!tpu.dma_semaphore, #tpu.memory_space<semaphore_mem>>)
    %scan3A_641 = arith.constant 0 : i32
    %scan3A_642 = arith.constant 32 : i32
    %scan3A_643 = arith.addi %scan3A_641, %scan3A_642 : i32
    %scan3A_644 = arith.constant 1 : i32
    scf.for %scan3A_703 = %scan3A_641 to %scan3A_643 step %scan3A_644  : i32 {
      %mul3A_704 = arith.constant 16 : i32
      %mul3A_705 = arith.muli %scan3A_703, %mul3A_704 : i32
      %get3A_706 = arith.index_cast %mul3A_705 : i32 to index
      %get3A_707 = tpu.vector_load %arg9[%get3A_706] {strides = array<i32>} : memref<512xf32, #tpu.memory_space<vmem>>, vector<16xf32>,
      %get3A_708 = vector.shape_cast %get3A_707 : vector<16xf32> to vector<16xf32>
      %add3A_709 = arith.constant 9216 : i32
      %add3A_710 = arith.addi %add3A_709, %mul3A_705 : i32
      %get3A_711 = arith.index_cast %add3A_710 : i32 to index
      %get3A_712 = tpu.vector_load %arg8[%get3A_711] {strides = array<i32>} : memref<13312xf32, #tpu.memory_space<vmem>>, vector<16xf32>,
      %get3A_713 = vector.shape_cast %get3A_712 : vector<16xf32> to vector<16xf32>
      %add3A_714 = arith.addf %get3A_708, %get3A_713 : vector<16xf32>
      %add3A_715 = arith.constant 9728 : i32
      %add3A_716 = arith.addi %add3A_715, %mul3A_705 : i32
      %get3A_717 = arith.index_cast %add3A_716 : i32 to index
      %get3A_718 = tpu.vector_load %arg8[%get3A_717] {strides = array<i32>} : memref<13312xf32, #tpu.memory_space<vmem>>, vector<16xf32>,
      %get3A_719 = vector.shape_cast %get3A_718 : vector<16xf32> to vector<16xf32>
      %add3A_720 = arith.addf %add3A_714, %get3A_719 : vector<16xf32>
      %swap3A = arith.index_cast %mul3A_705 : i32 to index
      %swap3A_721 = tpu.vector_load %arg9[%swap3A] {strides = array<i32>} : memref<512xf32, #tpu.memory_space<vmem>>, vector<16xf32>,
      %swap3A_722 = vector.shape_cast %swap3A_721 : vector<16xf32> to vector<16xf32>
      %swap3A_723 = vector.shape_cast %add3A_720 : vector<16xf32> to vector<16xf32>
      tpu.vector_store %arg9[%swap3A], %swap3A_723 {strides = array<i32>} : memref<512xf32, #tpu.memory_space<vmem>>, vector<16xf32>,
    }
    %scan3A_645 = arith.constant 32 : i32
    %dma_wait3A_646 = arith.constant 10240 : i32
    %dma_wait3A_647 = tpu.memref_slice %arg8[%dma_wait3A_646] : memref<13312xf32, #tpu.memory_space<vmem>> -> memref<1024xf32, #tpu.memory_space<vmem>>
    %dma_wait3A_648 = arith.constant 10240 : i32
    %dma_wait3A_649 = tpu.memref_slice %arg7[%dma_wait3A_648] : memref<13312xi32, #tpu.memory_space<vmem>> -> memref<1024xi32, #tpu.memory_space<vmem>>
    %dma_wait3A_650 = arith.constant 0 : i32
    %dma_wait3A_651 = tpu.memref_slice %arg11[%dma_wait3A_650] : memref<1000448xf32, #tpu.memory_space<vmem_shared>> -> memref<1000448xf32, #tpu.memory_space<vmem_shared>>
    tpu.wait_indirect_dma semaphore(%arg14 : memref<!tpu.dma_semaphore, #tpu.memory_space<semaphore_mem>>) src(%dma_wait3A_651 : memref<1000448xf32, #tpu.memory_space<vmem_shared>>) dst(%dma_wait3A_647 : memref<1024xf32, #tpu.memory_space<vmem>>)
    %dma_wait3A_652 = arith.constant 24 : i32
    %dma_wait3A_653 = arith.constant 12288 : i32
    %dma_wait3A_654 = tpu.memref_slice %arg7[%dma_wait3A_653] : memref<13312xi32, #tpu.memory_space<vmem>> -> memref<512xi32, #tpu.memory_space<vmem>>
    %dma_wait3A_655 = tpu.memref_slice %arg4[%dma_wait3A_652, %mul3A_2] : memref<26x16384xi32, #tpu.memory_space<hbm>> -> memref<1x512xi32, #tpu.memory_space<hbm>>
    %dma_wait3A_656 = tpu.memref_squeeze %dma_wait3A_655 : memref<1x512xi32, #tpu.memory_space<hbm>> -> memref<512xi32, #tpu.memory_space<hbm>>
    %dma_wait3A_657 = arith.constant 12288 : i32
    %dma_wait3A_658 = tpu.memref_slice %arg7[%dma_wait3A_657] : memref<13312xi32, #tpu.memory_space<vmem>> -> memref<512xi32, #tpu.memory_space<vmem>>
    %dma_wait3A_659 = tpu.memref_slice %arg4[%dma_wait3A_652, %mul3A_2] : memref<26x16384xi32, #tpu.memory_space<hbm>> -> memref<1x512xi32, #tpu.memory_space<hbm>>
    %dma_wait3A_660 = tpu.memref_squeeze %dma_wait3A_659 : memref<1x512xi32, #tpu.memory_space<hbm>> -> memref<512xi32, #tpu.memory_space<hbm>>
    tpu.wait_dma2 semaphore(%arg12 : memref<!tpu.dma_semaphore, #tpu.memory_space<semaphore_mem>>) src(%dma_wait3A_660 : memref<512xi32, #tpu.memory_space<hbm>>) dst(%dma_wait3A_658 : memref<512xi32, #tpu.memory_space<vmem>>)
    %dma_wait3A_661 = arith.constant 25 : i32
    %dma_wait3A_662 = arith.constant 12800 : i32
    %dma_wait3A_663 = tpu.memref_slice %arg7[%dma_wait3A_662] : memref<13312xi32, #tpu.memory_space<vmem>> -> memref<512xi32, #tpu.memory_space<vmem>>
    %dma_wait3A_664 = tpu.memref_slice %arg4[%dma_wait3A_661, %mul3A_2] : memref<26x16384xi32, #tpu.memory_space<hbm>> -> memref<1x512xi32, #tpu.memory_space<hbm>>
    %dma_wait3A_665 = tpu.memref_squeeze %dma_wait3A_664 : memref<1x512xi32, #tpu.memory_space<hbm>> -> memref<512xi32, #tpu.memory_space<hbm>>
    %dma_wait3A_666 = arith.constant 12800 : i32
    %dma_wait3A_667 = tpu.memref_slice %arg7[%dma_wait3A_666] : memref<13312xi32, #tpu.memory_space<vmem>> -> memref<512xi32, #tpu.memory_space<vmem>>
    %dma_wait3A_668 = tpu.memref_slice %arg4[%dma_wait3A_661, %mul3A_2] : memref<26x16384xi32, #tpu.memory_space<hbm>> -> memref<1x512xi32, #tpu.memory_space<hbm>>
    %dma_wait3A_669 = tpu.memref_squeeze %dma_wait3A_668 : memref<1x512xi32, #tpu.memory_space<hbm>> -> memref<512xi32, #tpu.memory_space<hbm>>
    tpu.wait_dma2 semaphore(%arg12 : memref<!tpu.dma_semaphore, #tpu.memory_space<semaphore_mem>>) src(%dma_wait3A_669 : memref<512xi32, #tpu.memory_space<hbm>>) dst(%dma_wait3A_667 : memref<512xi32, #tpu.memory_space<vmem>>)
    %dma_start3A_670 = arith.constant 12288 : i32
    %dma_start3A_671 = tpu.memref_slice %arg8[%dma_start3A_670] : memref<13312xf32, #tpu.memory_space<vmem>> -> memref<1024xf32, #tpu.memory_space<vmem>>
    %dma_start3A_672 = arith.constant 12288 : i32
    %dma_start3A_673 = tpu.memref_slice %arg7[%dma_start3A_672] : memref<13312xi32, #tpu.memory_space<vmem>> -> memref<1024xi32, #tpu.memory_space<vmem>>
    %dma_start3A_674 = arith.constant 0 : i32
    %dma_start3A_675 = tpu.memref_slice %arg11[%dma_start3A_674] : memref<1000448xf32, #tpu.memory_space<vmem_shared>> -> memref<1000448xf32, #tpu.memory_space<vmem_shared>>
    tpu.enqueue_indirect_dma source(%dma_start3A_675 : memref<1000448xf32, #tpu.memory_space<vmem_shared>>) target(%dma_start3A_671 : memref<1024xf32, #tpu.memory_space<vmem>>) offsets(%dma_start3A_673 : memref<1024xi32, #tpu.memory_space<vmem>>) semaphore(%arg14 : memref<!tpu.dma_semaphore, #tpu.memory_space<semaphore_mem>>)
    %scan3A_676 = arith.constant 0 : i32
    %scan3A_677 = arith.constant 32 : i32
    %scan3A_678 = arith.addi %scan3A_676, %scan3A_677 : i32
    %scan3A_679 = arith.constant 1 : i32
    scf.for %scan3A_703 = %scan3A_676 to %scan3A_678 step %scan3A_679  : i32 {
      %mul3A_704 = arith.constant 16 : i32
      %mul3A_705 = arith.muli %scan3A_703, %mul3A_704 : i32
      %get3A_706 = arith.index_cast %mul3A_705 : i32 to index
      %get3A_707 = tpu.vector_load %arg9[%get3A_706] {strides = array<i32>} : memref<512xf32, #tpu.memory_space<vmem>>, vector<16xf32>,
      %get3A_708 = vector.shape_cast %get3A_707 : vector<16xf32> to vector<16xf32>
      %add3A_709 = arith.constant 10240 : i32
      %add3A_710 = arith.addi %add3A_709, %mul3A_705 : i32
      %get3A_711 = arith.index_cast %add3A_710 : i32 to index
      %get3A_712 = tpu.vector_load %arg8[%get3A_711] {strides = array<i32>} : memref<13312xf32, #tpu.memory_space<vmem>>, vector<16xf32>,
      %get3A_713 = vector.shape_cast %get3A_712 : vector<16xf32> to vector<16xf32>
      %add3A_714 = arith.addf %get3A_708, %get3A_713 : vector<16xf32>
      %add3A_715 = arith.constant 10752 : i32
      %add3A_716 = arith.addi %add3A_715, %mul3A_705 : i32
      %get3A_717 = arith.index_cast %add3A_716 : i32 to index
      %get3A_718 = tpu.vector_load %arg8[%get3A_717] {strides = array<i32>} : memref<13312xf32, #tpu.memory_space<vmem>>, vector<16xf32>,
      %get3A_719 = vector.shape_cast %get3A_718 : vector<16xf32> to vector<16xf32>
      %add3A_720 = arith.addf %add3A_714, %get3A_719 : vector<16xf32>
      %swap3A = arith.index_cast %mul3A_705 : i32 to index
      %swap3A_721 = tpu.vector_load %arg9[%swap3A] {strides = array<i32>} : memref<512xf32, #tpu.memory_space<vmem>>, vector<16xf32>,
      %swap3A_722 = vector.shape_cast %swap3A_721 : vector<16xf32> to vector<16xf32>
      %swap3A_723 = vector.shape_cast %add3A_720 : vector<16xf32> to vector<16xf32>
      tpu.vector_store %arg9[%swap3A], %swap3A_723 {strides = array<i32>} : memref<512xf32, #tpu.memory_space<vmem>>, vector<16xf32>,
    }
    %scan3A_680 = arith.constant 32 : i32
    %dma_wait3A_681 = arith.constant 11264 : i32
    %dma_wait3A_682 = tpu.memref_slice %arg8[%dma_wait3A_681] : memref<13312xf32, #tpu.memory_space<vmem>> -> memref<1024xf32, #tpu.memory_space<vmem>>
    %dma_wait3A_683 = arith.constant 11264 : i32
    %dma_wait3A_684 = tpu.memref_slice %arg7[%dma_wait3A_683] : memref<13312xi32, #tpu.memory_space<vmem>> -> memref<1024xi32, #tpu.memory_space<vmem>>
    %dma_wait3A_685 = arith.constant 0 : i32
    %dma_wait3A_686 = tpu.memref_slice %arg11[%dma_wait3A_685] : memref<1000448xf32, #tpu.memory_space<vmem_shared>> -> memref<1000448xf32, #tpu.memory_space<vmem_shared>>
    tpu.wait_indirect_dma semaphore(%arg15 : memref<!tpu.dma_semaphore, #tpu.memory_space<semaphore_mem>>) src(%dma_wait3A_686 : memref<1000448xf32, #tpu.memory_space<vmem_shared>>) dst(%dma_wait3A_682 : memref<1024xf32, #tpu.memory_space<vmem>>)
    %scan3A_687 = arith.constant 0 : i32
    %scan3A_688 = arith.constant 32 : i32
    %scan3A_689 = arith.addi %scan3A_687, %scan3A_688 : i32
    %scan3A_690 = arith.constant 1 : i32
    scf.for %scan3A_703 = %scan3A_687 to %scan3A_689 step %scan3A_690  : i32 {
      %mul3A_704 = arith.constant 16 : i32
      %mul3A_705 = arith.muli %scan3A_703, %mul3A_704 : i32
      %get3A_706 = arith.index_cast %mul3A_705 : i32 to index
      %get3A_707 = tpu.vector_load %arg9[%get3A_706] {strides = array<i32>} : memref<512xf32, #tpu.memory_space<vmem>>, vector<16xf32>,
      %get3A_708 = vector.shape_cast %get3A_707 : vector<16xf32> to vector<16xf32>
      %add3A_709 = arith.constant 11264 : i32
      %add3A_710 = arith.addi %add3A_709, %mul3A_705 : i32
      %get3A_711 = arith.index_cast %add3A_710 : i32 to index
      %get3A_712 = tpu.vector_load %arg8[%get3A_711] {strides = array<i32>} : memref<13312xf32, #tpu.memory_space<vmem>>, vector<16xf32>,
      %get3A_713 = vector.shape_cast %get3A_712 : vector<16xf32> to vector<16xf32>
      %add3A_714 = arith.addf %get3A_708, %get3A_713 : vector<16xf32>
      %add3A_715 = arith.constant 11776 : i32
      %add3A_716 = arith.addi %add3A_715, %mul3A_705 : i32
      %get3A_717 = arith.index_cast %add3A_716 : i32 to index
      %get3A_718 = tpu.vector_load %arg8[%get3A_717] {strides = array<i32>} : memref<13312xf32, #tpu.memory_space<vmem>>, vector<16xf32>,
      %get3A_719 = vector.shape_cast %get3A_718 : vector<16xf32> to vector<16xf32>
      %add3A_720 = arith.addf %add3A_714, %get3A_719 : vector<16xf32>
      %swap3A = arith.index_cast %mul3A_705 : i32 to index
      %swap3A_721 = tpu.vector_load %arg9[%swap3A] {strides = array<i32>} : memref<512xf32, #tpu.memory_space<vmem>>, vector<16xf32>,
      %swap3A_722 = vector.shape_cast %swap3A_721 : vector<16xf32> to vector<16xf32>
      %swap3A_723 = vector.shape_cast %add3A_720 : vector<16xf32> to vector<16xf32>
      tpu.vector_store %arg9[%swap3A], %swap3A_723 {strides = array<i32>} : memref<512xf32, #tpu.memory_space<vmem>>, vector<16xf32>,
    }
    %scan3A_691 = arith.constant 32 : i32
    %dma_wait3A_692 = arith.constant 12288 : i32
    %dma_wait3A_693 = tpu.memref_slice %arg8[%dma_wait3A_692] : memref<13312xf32, #tpu.memory_space<vmem>> -> memref<1024xf32, #tpu.memory_space<vmem>>
    %dma_wait3A_694 = arith.constant 12288 : i32
    %dma_wait3A_695 = tpu.memref_slice %arg7[%dma_wait3A_694] : memref<13312xi32, #tpu.memory_space<vmem>> -> memref<1024xi32, #tpu.memory_space<vmem>>
    %dma_wait3A_696 = arith.constant 0 : i32
    %dma_wait3A_697 = tpu.memref_slice %arg11[%dma_wait3A_696] : memref<1000448xf32, #tpu.memory_space<vmem_shared>> -> memref<1000448xf32, #tpu.memory_space<vmem_shared>>
    tpu.wait_indirect_dma semaphore(%arg14 : memref<!tpu.dma_semaphore, #tpu.memory_space<semaphore_mem>>) src(%dma_wait3A_697 : memref<1000448xf32, #tpu.memory_space<vmem_shared>>) dst(%dma_wait3A_693 : memref<1024xf32, #tpu.memory_space<vmem>>)
    %scan3A_698 = arith.constant 0 : i32
    %scan3A_699 = arith.constant 32 : i32
    %scan3A_700 = arith.addi %scan3A_698, %scan3A_699 : i32
    %scan3A_701 = arith.constant 1 : i32
    scf.for %scan3A_703 = %scan3A_698 to %scan3A_700 step %scan3A_701  : i32 {
      %mul3A_704 = arith.constant 16 : i32
      %mul3A_705 = arith.muli %scan3A_703, %mul3A_704 : i32
      %get3A_706 = arith.index_cast %mul3A_705 : i32 to index
      %get3A_707 = tpu.vector_load %arg9[%get3A_706] {strides = array<i32>} : memref<512xf32, #tpu.memory_space<vmem>>, vector<16xf32>,
      %get3A_708 = vector.shape_cast %get3A_707 : vector<16xf32> to vector<16xf32>
      %add3A_709 = arith.constant 12288 : i32
      %add3A_710 = arith.addi %add3A_709, %mul3A_705 : i32
      %get3A_711 = arith.index_cast %add3A_710 : i32 to index
      %get3A_712 = tpu.vector_load %arg8[%get3A_711] {strides = array<i32>} : memref<13312xf32, #tpu.memory_space<vmem>>, vector<16xf32>,
      %get3A_713 = vector.shape_cast %get3A_712 : vector<16xf32> to vector<16xf32>
      %add3A_714 = arith.addf %get3A_708, %get3A_713 : vector<16xf32>
      %add3A_715 = arith.constant 12800 : i32
      %add3A_716 = arith.addi %add3A_715, %mul3A_705 : i32
      %get3A_717 = arith.index_cast %add3A_716 : i32 to index
      %get3A_718 = tpu.vector_load %arg8[%get3A_717] {strides = array<i32>} : memref<13312xf32, #tpu.memory_space<vmem>>, vector<16xf32>,
      %get3A_719 = vector.shape_cast %get3A_718 : vector<16xf32> to vector<16xf32>
      %add3A_720 = arith.addf %add3A_714, %get3A_719 : vector<16xf32>
      %swap3A = arith.index_cast %mul3A_705 : i32 to index
      %swap3A_721 = tpu.vector_load %arg9[%swap3A] {strides = array<i32>} : memref<512xf32, #tpu.memory_space<vmem>>, vector<16xf32>,
      %swap3A_722 = vector.shape_cast %swap3A_721 : vector<16xf32> to vector<16xf32>
      %swap3A_723 = vector.shape_cast %add3A_720 : vector<16xf32> to vector<16xf32>
      tpu.vector_store %arg9[%swap3A], %swap3A_723 {strides = array<i32>} : memref<512xf32, #tpu.memory_space<vmem>>, vector<16xf32>,
    }
    %scan3A_702 = arith.constant 32 : i32
    "tpu.region"() ({
      %run_scoped3A = tpu.sem_alloc : memref<!tpu.dma_semaphore, #tpu.memory_space<semaphore_mem>>
      %dma_start3A_703 = tpu.memref_slice %arg6[%mul3A_2] : memref<16384xf32, #tpu.memory_space<hbm>> -> memref<512xf32, #tpu.memory_space<hbm>>
      %dma_start3A_704 = tpu.memref_slice %arg6[%mul3A_2] : memref<16384xf32, #tpu.memory_space<hbm>> -> memref<512xf32, #tpu.memory_space<hbm>>
      tpu.enqueue_dma source(%arg9 : memref<512xf32, #tpu.memory_space<vmem>>) target(%dma_start3A_704 : memref<512xf32, #tpu.memory_space<hbm>>) target_semaphore(%run_scoped3A : memref<!tpu.dma_semaphore, #tpu.memory_space<semaphore_mem>>)
      %dma_wait3A_705 = tpu.memref_slice %arg6[%mul3A_2] : memref<16384xf32, #tpu.memory_space<hbm>> -> memref<512xf32, #tpu.memory_space<hbm>>
      %dma_wait3A_706 = tpu.memref_slice %arg6[%mul3A_2] : memref<16384xf32, #tpu.memory_space<hbm>> -> memref<512xf32, #tpu.memory_space<hbm>>
      tpu.wait_dma2 semaphore(%run_scoped3A : memref<!tpu.dma_semaphore, #tpu.memory_space<semaphore_mem>>) src(%arg9 : memref<512xf32, #tpu.memory_space<vmem>>) dst(%dma_wait3A_706 : memref<512xf32, #tpu.memory_space<hbm>>)
      tpu.yield
    }) : () -> ()
    return
  }
}

</mosaic_0001>

<sc_bundles>
// kernel: kernel.3.cloned.1.call-start
scs
__scs_entry_jumppad:
0x0: {  	(pc) =	sbr.rel $0x88, $3  }
0x1: {  	(tag) =	ssettag $0x0;
	lr =	simm.s32 $0x1  }
0x2: {  	[smem:$0x3F9E] =	sst lr;
	_ =	strace $0xD0000000  }
0x3: {  	_ = 	snop  }
0x4: {  	_ = 	snop  }
0x5: {  	_ = 	snop  }
0x6: {  	_ = 	snop  }
0x7: {  	_ = 	snop  }
__scs_overlays_trampoline_lowered:
0x8: {  	[smem:$0x3FAD] =	sst s0  }
0x9: {  	[smem:$0x3FAE] =	sst s1  }
0xa: {  	[smem:$0x3FAF] =	sst s2  }
0xb: {  	[smem:$0x3FB0] =	sst s3  }
0xc: {  	[smem:$0x3FB1] =	sst s4  }
0xd: {  	[smem:$0x3FB2] =	sst s5  }
0xe: {  	[smem:$0x3FB3] =	sst s6  }
0xf: {  	[smem:$0x3FB4] =	sst s7  }
0x10: {  	[smem:$0x3FB5] =	sst s8  }
0x11: {  	[smem:$0x3FB6] =	sst s9;
	s0 =	simm.s32 @!p0 $0x0  }
0x12: {  	s1 =	sld [smem:$0x3F9C];
	s0 =	simm.s32 @p0 $0x1  }
0x13: {  	[smem:$0x3FB7] =	sst s0;
	s0 =	simm.s32 @!p1 $0x0  }
0x14: {  	s2 =	sld [smem:$0x3F9B];
	s0 =	simm.s32 @p1 $0x1  }
0x15: {  	[smem:$0x3FB8] =	sst s0;
	s0 =	simm.s32 @!p2 $0x0  }
0x16: {  	s3 =	sld [smem:$0x3FDB];
	s0 =	simm.s32 @p2 $0x1  }
0x17: {  	s4 =	simm.s32 $0x1BF5;
	[smem:$0x3FBA] =	sst s0  }
0x18: {  	s0 =	sld [smem:$0x3F9D];
	_ =	swait.ge [sflag:s4], $0x0  }
0x19: {  	s7 =	sld [smem:$0x3F9E]  }
0x1a: {  	s8 =	sadd.s32 $0xFFFFE003, lr  }
0x1b: {  	s9 =	sadd.s32 $0xFFFFFEF7, lr;
	s5 =	simm.s32 $0xFFFFFFFF;
	p2 =	slt.u32 s8, $0xFFFFF086  }
0x1c: {  	p1 =	slt.u32 s9, $0xF7A;
	s5 =	simm.s32 @!p2 $0x0  }
0x1d: {  	s5 =	simm.s32 @p1 $0x1;
	p0 =	seq.s32 s7, s2  }
0x1e: {  	s7 =	smul.u32 @!p0 $0xF7A, s2;
	p2 =	seq.s32 @!p0 s5, $0x0  }
0x1f: {  	s9 =	smul.u32 $0xF7A, s1;
	s8 =	simm.s32 @!p0 $0x1BF5;
	p2 =	por !p2, p0  }
0x20: {  	[sflag:s8] =	ssyncset.s32 @!p0 $0xFFFFF086;
	s6 =	sadd.s32 @!p0 s3, s7;
	s7 =	simm.s32 @!p0 $0x108  }
0x21: {  	s3 =	sadd.s32 s3, s9;
	s6 =	sadd.s32 @!p0 $0x88, s6;
	s7 =	simm.s32 @p2 $0x1082  }
0x22: {  	[simem:s7], [sflag:s8] =	dma.local @!p0 [hbm:s6], $0xF7A  }
0x23: {  	s9 =	sor.u32 $0xD0000000, s2;
	s6 =	simm.s32 $0x108;
	_ =	swait.ge @!p0 [sflag:s8], $0x0  }
0x24: {  	s3 =	sadd.s32 $0x88, s3;
	s6 =	simm.s32 @!p1 $0x1082;
	[sflag:s4] =	ssyncset.s32 $0xFFFFF086  }
0x25: {  	[simem:s6], [sflag:s4] =	dma.local [hbm:s3], $0xF7A  }
0x26: {  	[smem:$0x3F9E] =	sst s1;
	(tag) =	ssettag s2;
	_ =	strace s9  }
0x27: {  	s1 =	sld [smem:$0x3FAE]  }
0x28: {  	s2 =	sld [smem:$0x3FAF]  }
0x29: {  	s4 =	sld [smem:$0x3FB1]  }
0x2a: {  	p0 =	seq.s32 s5, $0x0;
	s5 =	sld [smem:$0x3FB2]  }
0x2b: {  	s6 =	sld [smem:$0x3FB3]  }
0x2c: {  	s7 =	sld [smem:$0x3FB4]  }
0x2d: {  	s3 =	simm.s32 $0x108;
	s8 =	sld [smem:$0x3FB5]  }
0x2e: {  	s3 =	simm.s32 @!p0 $0x1082;
	s9 =	sld [smem:$0x3FB6]  }
0x2f: {  	lr =	sadd.s32 s0, s3;
	s0 =	sld [smem:$0x3FAD]  }
0x30: {  	s3 =	sld [smem:$0x3FB0]  }
0x31: {  	[smem:$0x3FB9] =	sst s10  }
0x32: {  	s10 =	sld [smem:$0x3FB7];
	_ =	sdelay $0x3  }
0x33: {  	p0 =	seq.s32 s10, $0x1;
	s10 =	sld [smem:$0x3FB9];
	_ =	sdelay $0x3  }
0x34: {  	[smem:$0x3FB9] =	sst s10  }
0x35: {  	s10 =	sld [smem:$0x3FB8];
	_ =	sdelay $0x3  }
0x36: {  	p1 =	seq.s32 s10, $0x1;
	s10 =	sld [smem:$0x3FB9];
	_ =	sdelay $0x3  }
0x37: {  	[smem:$0x3FB9] =	sst s10  }
0x38: {  	s10 =	sld [smem:$0x3FBA]  }
0x39: {  	_ = 	snop;
	(pc) =	sbr.ind lr, $3  }
0x3a: {  	_ = 	snop  }
0x3b: {  	_ = 	snop  }
0x3c: {  	p2 =	seq.s32 s10, $0x1;
	s10 =	sld [smem:$0x3FB9]  }
0x3d: {  	_ =	shalt  }
0x3e: {  	_ =	shalt  }
0x3f: {  	_ =	shalt  }
0x40: {  	_ =	shalt  }
0x41: {  	_ =	shalt  }
0x42: {  	_ =	shalt  }
0x43: {  	_ =	shalt  }
0x44: {  	_ =	shalt  }
0x45: {  	_ =	shalt  }
0x46: {  	_ =	shalt  }
0x47: {  	_ =	shalt  }
0x48: {  	_ =	shalt  }
0x49: {  	_ =	shalt  }
0x4a: {  	_ =	shalt  }
0x4b: {  	_ =	shalt  }
0x4c: {  	_ =	shalt  }
0x4d: {  	_ =	shalt  }
0x4e: {  	_ =	shalt  }
0x4f: {  	_ =	shalt  }
0x50: {  	_ =	shalt  }
0x51: {  	_ =	shalt  }
0x52: {  	_ =	shalt  }
0x53: {  	_ =	shalt  }
0x54: {  	_ =	shalt  }
0x55: {  	_ =	shalt  }
0x56: {  	_ =	shalt  }
0x57: {  	_ =	shalt  }
0x58: {  	_ =	shalt  }
0x59: {  	_ =	shalt  }
0x5a: {  	_ =	shalt  }
0x5b: {  	_ =	shalt  }
0x5c: {  	_ =	shalt  }
0x5d: {  	_ =	shalt  }
0x5e: {  	_ =	shalt  }
0x5f: {  	_ =	shalt  }
0x60: {  	_ =	shalt  }
0x61: {  	_ =	shalt  }
0x62: {  	_ =	shalt  }
0x63: {  	_ =	shalt  }
0x64: {  	_ =	shalt  }
0x65: {  	_ =	shalt  }
0x66: {  	_ =	shalt  }
0x67: {  	_ =	shalt  }
0x68: {  	_ =	shalt  }
0x69: {  	_ =	shalt  }
0x6a: {  	_ =	shalt  }
0x6b: {  	_ =	shalt  }
0x6c: {  	_ =	shalt  }
0x6d: {  	_ =	shalt  }
0x6e: {  	_ =	shalt  }
0x6f: {  	_ =	shalt  }
0x70: {  	_ =	shalt  }
0x71: {  	_ =	shalt  }
0x72: {  	_ =	shalt  }
0x73: {  	_ =	shalt  }
0x74: {  	_ =	shalt  }
0x75: {  	_ =	shalt  }
0x76: {  	_ =	shalt  }
0x77: {  	_ =	shalt  }
0x78: {  	_ =	shalt  }
0x79: {  	_ =	shalt  }
0x7a: {  	_ =	shalt  }
0x7b: {  	_ =	shalt  }
0x7c: {  	_ =	shalt  }
0x7d: {  	_ =	shalt  }
0x7e: {  	_ =	shalt  }
0x7f: {  	_ =	shalt  }
0x80: {  	_ =	shalt  }
0x81: {  	_ =	shalt  }
0x82: {  	_ =	shalt  }
0x83: {  	_ =	shalt  }
0x84: {  	_ =	shalt  }
0x85: {  	_ =	shalt  }
0x86: {  	_ =	shalt  }
0x87: {  	_ =	shalt  }
.Lfunc_end0:
.L_simem_size_0:
called_computation_lowered:
.L_overlay_start_0:
0x88: {  	s2 =	sld [smem:$0x3FD9]  }
0x89: {  	s3 =	sld [smem:$0x3FFE];
	_ =	sdelay $0x1  }
0x8a: {  	s1 =	srdreg.scid  }
0x8b: {  	s0 =	sand.u32 $0x1, s1  }
0x8c: {  	s17 =	sshll.u32 s0, $0xA;
	s2 =	sadd.s32 s3, s2  }
0x8d: {  	s2 =	sadd.s32 s2, s17  }
0x8e: {  	[smem:$0x3FC5] =	sst s2  }
0x8f: {  	_ = 	snop  }
0x90: {  	s2 =	sld [smem:$0x3FC9]  }
0x91: {  	s18 =	sld [smem:$0x3FD0];
	(tm) =	ssettm $0x1  }
0x92: {  	s4 =	sld [smem:$0x3FFB];
	_ =	sdelay $0x3  }
0x93: {  	_ =	strace s4  }
0x94: {  	s4 =	sld [smem:$0x3FFC];
	_ =	sdelay $0x3  }
0x95: {  	_ =	strace s4  }
0x96: {  	s4 =	sld [smem:$0x3FFD];
	_ =	sdelay $0x3  }
0x97: {  	_ =	strace s4  }
0x98: {  	_ =	strace $0x8FFFFFFF  }
0x99: {  	s19 =	sld [smem:$0x3FDB];
	_ =	sdelay $0x1  }
0x9a: {  	s5 =	simm.s32 $_scs_section_size  }
0x9b: {  	s6 =	simm.s32 $_size__tile_overlayer_lowered;
	s7 =	simm.s32 $_tile_overlayer_lowered  }
0x9c: {  	s22 =	simm.s32 $0x1BFF;
	s21 =	sshll.u32 s7, $0x1;
	s4 =	sadd.s32 s5, s19  }
0x9d: {  	s8 =	simm.s32 $0x0;
	s20 =	sshll.u32 s6, $0x1;
	s6 =	sadd.s32 s21, s4  }
0x9e: {  	[timem:s8], [sflag:s22] =	dma.local [hbm:s6], s20  }
0x9f: {  	_ =	swait.ge [sflag:s22], s20  }
0xa0: {  	s5 =	ssub.s32 $0x0, s20;
	[sflag:s22] =	ssyncset.done $0x0  }
0xa1: {  	[sflag:s22] =	ssyncadd.s32 s5;
	_ =	sdelay $0x1  }
0xa2: {  	s23 =	simm.s32 $0x1B8B  }
0xa3: {  	_ =	swait.ge [sflag:s23], $0x1  }
0xa4: {  	[sflag:s23] =	ssyncset.done $0x0  }
0xa5: {  	s25 =	simm.s32 $0x1B8E;
	s24 =	sld [smem:$0x3FFE];
	[sflag:s23] =	ssyncadd.s32 $0xFFFFFFFF  }
0xa6: {  	s26 =	simm.s32 $execute0_lowered;
	[smem:$0x3FD2] =	sst s25  }
0xa7: {  	s6 =	sshll.u32 s26, $0x1;
	_ =	strace $0x80000046;
	[dreg:$0x1] =	wrdreg $0xFFFFFFFF  }
0xa8: {  	s28 =	simm.s32 $_size_execute0_lowered;
	s4 =	sadd.s32 s4, s6;
	[dreg:$0x0] =	wrdreg $0x0  }
0xa9: {  	s6 =	sshll.u32 s28, $0x1;
	[dreg:$0x2] =	wrdreg s4  }
0xaa: {  	[dreg:$0x3] =	wrdreg s6  }
0xab: {  	[dreg:$0x4] =	wrdreg $0xC0  }
0xac: {  	_ =	task [dreg:s8], $0x5FFFF  }
0xad: {  	[dreg:$0x1] =	wrdreg $0xFFFFFFFF  }
0xae: {  	[dreg:$0x0] =	wrdreg $0x60  }
0xaf: {  	[dreg:$0x2] =	wrdreg s24  }
0xb0: {  	[dreg:$0x3] =	wrdreg s2  }
0xb1: {  	[dreg:$0x4] =	wrdreg s18  }
0xb2: {  	[dreg:$0x5] =	wrdreg $0x6A800  }
0xb3: {  	[dreg:$0x6] =	wrdreg $0x9  }
0xb4: {  	_ =	task.clear_ibuf [dreg:s8], $0x7FFFF;
	_ =	strace $0x90000046  }
0xb5: {  	s29 =	simm.s32 $0x9;
	_ =	strace $0x80000048  }
0xb6: {  	_ =	swait.ge [sflag:s29], $0x1  }
0xb7: {  	[sflag:s29] =	ssyncadd.s32 $0xFFFFFFFF  }
0xb8: {  	_ =	strace $0x90000048  }
0xb9: {  	_ =	sfence  }
0xba: {  	s30 =	sld [smem:$0x0];
	_ =	sdelay $0x2  }
0xbb: {  	s31 =	sshll.u32 s1, $0xD;
	s1 =	sshrl.u32 s1, $0x2  }
0xbc: {  	s3 =	sand.u32 $0x4000, s31;
	s1 =	sadd.s32 s1, s30  }
0xbd: {  	s0 =	sor.u32 s3, s0;
	s1 =	sshll.u32 s1, $0x11  }
0xbe: {  	s0 =	sor.u32 s1, s0  }
0xbf: {  	s0 =	sadd.s32 $0x8F2B, s0  }
0xc0: {  	[sflag:s0] =	ssyncadd.remote.s32 $0x1  }
0xc1: {  	_ =	sfence.sel $0xFFFF  }
0xc2: {  	[dreg:$0x0] =	wrdreg $0xFFFFFFFF;
	(pc) =	sbr.abs _section_cstart, $3  }
0xc3: {  	[dreg:$0x1] =	wrdreg $0xFFFFFFFF  }
0xc4: {  	_ =	task.clear_ibuf [dreg:s8], $0x2FFFF;
	_ =	strace $0x9FFFFFFF  }
0xc5: {  	(tm) =	ssettm $0x7FFFFFFF  }
tec
execute0_lowered:
.L_overlay_start_1:
0x0: {  	(tag) =	ssettag $0x1  }
0x1: {  	s0 =	rddreg [dreg:$0x0]  }
0x2: {  	s1 =	rddreg [dreg:$0x1]  }
0x3: {  	s4 =	rddreg [dreg:$0x2];
	s9 =	stileid.u32  }
0x4: {  	s2 =	rddreg [dreg:$0x3];
	s3 =	simm.s32 $0x0;
	s6 =	srdreg.scid  }
0x5: {  	s5 =	smul.u32 $0xF400, s9;
	[smem:$0x7FF] =	sst s3;
	s6 =	sand.u32 $0x1, s6  }
0x6: {  	s10 =	sadd.s32 $0x1F000, s0;
	s17 =	sshll.u32 s9, $0xA;
	s19 =	sadd.s32 $0xF4000, s2  }
0x7: {  	_ =	strace $0x80000047;
	s8 =	ssub.s32 $0x2, s6;
	[dreg:$0x5] =	wrdreg s10  }
0x8: {  	s6 =	sshll.u32 s6, $0x9;
	s7 =	sshrl.u32 s5, $0x3;
	s16 =	sshrl.u32 s8, $0x1  }
0x9: {  	s6 =	sor.u32 s6, s17;
	s5 =	sadd.s32 s5, s2;
	s17 =	sshrl.u32 s19, $0x3  }
0xa: {  	s7 =	sadd.s32 s7, s0;
	s0 =	sadd.s32 $0x1F200, s0;
	[dreg:$0x18] =	wrdreg s17  }
0xb: {  	[dreg:$0x6] =	wrdreg s0;
	s0 =	ssub.s32 s8, s16;
	s7 =	sadd.s32 $0x800, s7  }
0xc: {  	s8 =	sadd.s32 s1, s6;
	s16 =	sshrl.u32 s5, $0x3;
	[dreg:$0x7] =	wrdreg s7  }
0xd: {  	s20 =	sadd.s32 $0x10, s8;
	[dreg:$0x17] =	wrdreg s16  }
0xe: {  	s21 =	sadd.s32 $0x20, s8;
	[dreg:$0x8] =	wrdreg s20  }
0xf: {  	s22 =	sadd.s32 $0x30, s8;
	[dreg:$0x9] =	wrdreg s21  }
0x10: {  	s23 =	sadd.s32 $0x40, s8;
	[dreg:$0xa] =	wrdreg s22  }
0x11: {  	s24 =	sadd.s32 $0x50, s8;
	[dreg:$0xb] =	wrdreg s23  }
0x12: {  	s25 =	sadd.s32 $0x60, s8;
	[dreg:$0xc] =	wrdreg s24  }
0x13: {  	s28 =	simm.s32 $0x2800;
	s26 =	sadd.s32 $0x70, s8;
	[dreg:$0xd] =	wrdreg s25  }
0x14: {  	s29 =	simm.s32 $0x2C00;
	s10 =	sadd.s32 $0x4000, s8;
	[dreg:$0xe] =	wrdreg s26  }
0x15: {  	s30 =	simm.s32 $0x3000;
	s11 =	sadd.s32 $0x4010, s8;
	[dreg:$0xf] =	wrdreg s10  }
0x16: {  	s31 =	simm.s32 $0x6800;
	s12 =	sadd.s32 $0x4020, s8;
	[dreg:$0x10] =	wrdreg s11  }
0x17: {  	s18 =	sshll.u32 s9, $0x6;
	s13 =	sadd.s32 $0x4030, s8;
	[dreg:$0x11] =	wrdreg s12  }
0x18: {  	s6 =	sshrl.u32 s6, $0x3;
	s14 =	sadd.s32 $0x4040, s8;
	[dreg:$0x12] =	wrdreg s13  }
0x19: {  	s17 =	simm.s32 $0x1;
	s4 =	sadd.s32 s4, s6;
	[dreg:$0x13] =	wrdreg s14  }
0x1a: {  	s1 =	simm.s32 $0x0;
	s15 =	sadd.s32 $0x4050, s8;
	[dreg:$0x14] =	wrdreg s4  }
0x1b: {  	s7 =	sor.u32 $0x1C05, s18;
	s0 =	smax.u32 s0, $0x1;
	[dreg:$0x15] =	wrdreg s15  }
0x1c: {  	s18 =	sadd.s32 $0x4060, s8;
	s19 =	sadd.s32 $0x4070, s8;
	[dreg:$0x16] =	wrdreg s0  }
0x1d: {  	s6 =	sadd.s32 $0x8070, s8;
	s9 =	sadd.s32 $0xC000, s8;
	[dreg:$0x19] =	wrdreg s18  }
0x1e: {  	s16 =	simm.s32 $0x5;
	[dreg:$0x1a] =	wrdreg s19;
	s20 =	sadd.s32 $0x8000, s8  }
0x1f: {  	s21 =	sadd.s32 $0x8010, s8;
	s22 =	sadd.s32 $0x8020, s8;
	[dreg:$0x1b] =	wrdreg s20  }
0x20: {  	s23 =	sadd.s32 $0x8030, s8;
	s24 =	sadd.s32 $0x8040, s8;
	[dreg:$0x1c] =	wrdreg s21  }
0x21: {  	s25 =	sadd.s32 $0x8050, s8;
	s26 =	sadd.s32 $0x8060, s8;
	[dreg:$0x1d] =	wrdreg s22  }
0x22: {  	s10 =	sadd.s32 $0xC010, s8;
	s11 =	simm.s32 $0x80;
	[dreg:$0x1e] =	wrdreg s23  }
0x23: {  	s12 =	simm.s32 $0x400;
	s14 =	simm.s32 $0xC00;
	[dreg:$0x1f] =	wrdreg s24  }
0x24: {  	s15 =	simm.s32 $0x6;
	s18 =	simm.s32 $0x2;
	[smem:$0x7FC] =	sst s25  }
0x25: {  	s19 =	simm.s32 $0x3;
	[smem:$0x7FD] =	sst s26;
	s20 =	simm.s32 $0x1000  }
0x26: {  	s21 =	simm.s32 $0x4;
	s22 =	simm.s32 $0x1400;
	s23 =	simm.s32 $0x1800  }
0x27: {  	s24 =	simm.s32 $0x1C00;
	s25 =	simm.s32 $0x2000;
	s26 =	simm.s32 $0x2400  }
.LBB2_1:
0x28: {  	s0 =	rddreg [dreg:$0x7]  }
0x29: {  	s4 =	rddreg [dreg:$0x17]  }
0x2a: {  	[spmem:s4], [sflag:s7] =	dma.local [hbm:s0], $0x1E80  }
0x2b: {  	s0 =	rddreg [dreg:$0x5]  }
0x2c: {  	s4 =	rddreg [dreg:$0x18]  }
0x2d: {  	[spmem:s4], [sflag:s7] =	dma.local [hbm:s0], $0x80  }
0x2e: {  	[tilespmem:s3], [sflag:$0x1] =	stream.strided.gather [hbm4b:s8+s11], $0x200, s12, s11, $0x38;
	[tilespmem:$0x15EC0] =	vst v63  }
0x2f: {  	s13 =	simm.s32 $0x200;
	s0 =	rddreg [dreg:$0x8]  }
0x30: {  	[tilespmem:s13], [sflag:$0x1] =	stream.strided.gather [hbm4b:s0+s11], $0x200, s12, s11, $0x38;
	[tilespmem:$0x15EC0] =	vst v63  }
0x31: {  	s4 =	rddreg [dreg:$0x9]  }
0x32: {  	[tilespmem:s12], [sflag:$0x2] =	stream.strided.gather [hbm4b:s4+s11], $0x200, s12, s11, $0x38;
	[tilespmem:$0x15EC0] =	vst v63  }
0x33: {  	s5 =	rddreg [dreg:$0xa];
	s13 =	simm.s32 $0x600  }
0x34: {  	[tilespmem:s13], [sflag:$0x2] =	stream.strided.gather [hbm4b:s5+s11], $0x200, s12, s11, $0x38;
	[tilespmem:$0x15EC0] =	vst v63  }
0x35: {  	s4 =	simm.s32 $0x800;
	s5 =	rddreg [dreg:$0xb]  }
0x36: {  	[tilespmem:s4], [sflag:$0x1] =	stream.strided.gather [hbm4b:s5+s11], $0x200, s12, s11, $0x38;
	[tilespmem:$0x15EC0] =	vst v63  }
0x37: {  	s13 =	rddreg [dreg:$0xc];
	s5 =	simm.s32 $0xA00  }
0x38: {  	[tilespmem:s5], [sflag:$0x1] =	stream.strided.gather [hbm4b:s13+s11], $0x200, s12, s11, $0x38;
	[tilespmem:$0x15EC0] =	vst v63  }
0x39: {  	s5 =	rddreg [dreg:$0xd]  }
0x3a: {  	[tilespmem:s14], [sflag:$0x2] =	stream.strided.gather [hbm4b:s5+s11], $0x200, s12, s11, $0x38;
	[tilespmem:$0x15EC0] =	vst v63  }
0x3b: {  	s13 =	rddreg [dreg:$0xe];
	s14 =	simm.s32 $0xE00  }
0x3c: {  	[tilespmem:s14], [sflag:$0x2] =	stream.strided.gather [hbm4b:s13+s11], $0x200, s12, s11, $0x38;
	[tilespmem:$0x15EC0] =	vst v63  }
0x3d: {  	s5 =	rddreg [dreg:$0x6];
	s13 =	simm.s32 $0x6A00  }
0x3e: {  	[tilespmem:s13], [sflag:$0x6] =	stream.linear.gather [hbm4b:s5+s3], $0x80, $0x38;
	[tilespmem:$0x15EC0] =	vst v63  }
0x3f: {  	_ =	swait.ge [sflag:s15], $0x80  }
0x40: {  	[sflag:s15] =	ssyncset.done $0x0  }
0x41: {  	[sflag:s15] =	ssyncadd.s32 $0xFFFFFF80  }
0x42: {  	_ =	swait.ge [sflag:s16], $0x1E80  }
0x43: {  	[sflag:s16] =	ssyncset.done $0x0  }
0x44: {  	[sflag:s16] =	ssyncadd.s32 $0xFFFFE180  }
0x45: {  	_ =	swait.ge [sflag:s16], $0x80  }
0x46: {  	[sflag:s16] =	ssyncset.done $0x0  }
0x47: {  	[sflag:s16] =	ssyncadd.s32 $0xFFFFFF80  }
0x48: {  	[bflag:$0x0] =	sbarrier.arrive $0xFFFF  }
0x49: {  	_ =	swait.ge [sflag:s17], $0x200  }
0x4a: {  	[sflag:s17] =	ssyncset.done $0x0  }
0x4b: {  	[sflag:s17] =	ssyncadd.s32 $0xFFFFFE00  }
0x4c: {  	_ =	swait.ge [sflag:s17], $0x200  }
0x4d: {  	[sflag:s17] =	ssyncset.done $0x0  }
0x4e: {  	s0 =	simm.s32 $0x3400;
	[sflag:s17] =	ssyncadd.s32 $0xFFFFFE00  }
0x4f: {  	[tilespmem:s0], [sflag:$0x3] =	stream.indirect.gather [spmem:s2], $0x1, s3, s12, $0xb8;
	[tilespmem:$0x15EC0] =	vst v63  }
0x50: {  	_ =	swait.ge [sflag:s18], $0x200  }
0x51: {  	[sflag:s18] =	ssyncset.done $0x0  }
0x52: {  	[sflag:s18] =	ssyncadd.s32 $0xFFFFFE00  }
0x53: {  	_ =	swait.ge [sflag:s18], $0x200  }
0x54: {  	[sflag:s18] =	ssyncset.done $0x0  }
0x55: {  	s14 =	simm.s32 $0x3800;
	[sflag:s18] =	ssyncadd.s32 $0xFFFFFE00  }
0x56: {  	[tilespmem:s14], [sflag:$0x4] =	stream.indirect.gather [spmem:s2], $0x1, s12, s12, $0xb8;
	[tilespmem:$0x15EC0] =	vst v63  }
0x57: {  	v0 =	vld [tilespmem:$0x6A00];
	_ =	swait.ge [sflag:s19], $0x400  }
0x58: {  	[sflag:s19] =	ssyncset.done $0x0  }
0x59: {  	[sflag:s19] =	ssyncadd.s32 $0xFFFFFC00  }
0x5a: {  	_ =	swait.ge [sflag:s17], $0x200  }
0x5b: {  	[sflag:s17] =	ssyncset.done $0x0  }
0x5c: {  	[sflag:s17] =	ssyncadd.s32 $0xFFFFFE00  }
0x5d: {  	_ =	swait.ge [sflag:s17], $0x200  }
0x5e: {  	[sflag:s17] =	ssyncset.done $0x0  }
0x5f: {  	s13 =	simm.s32 $0x3C00;
	[sflag:s17] =	ssyncadd.s32 $0xFFFFFE00  }
0x60: {  	[tilespmem:s13], [sflag:$0x3] =	stream.indirect.gather [spmem:s2], $0x1, s4, s12, $0xb8;
	[tilespmem:$0x15EC0] =	vst v63  }
0x61: {  	s14 =	rddreg [dreg:$0xf]  }
0x62: {  	[tilespmem:s20], [sflag:$0x1] =	stream.strided.gather [hbm4b:s14+s11], $0x200, s12, s11, $0x38;
	[tilespmem:$0x15EC0] =	vst v63  }
0x63: {  	s5 =	rddreg [dreg:$0x10];
	s13 =	simm.s32 $0x1200  }
0x64: {  	[tilespmem:s13], [sflag:$0x1] =	stream.strided.gather [hbm4b:s5+s11], $0x200, s12, s11, $0x38;
	[tilespmem:$0x15EC0] =	vst v63  }
0x65: {  	v1 =	vld [tilespmem:s0+$0x0]  }
0x66: {  	s14 =	sand.u32 $0x1F0, s3  }
0x67: {  	v2 =	vld [tilespmem:s14+$0x3600];
	_ =	sdelay $0x2  }
0x68: {  	v1 =	vadd.f32 v1, v0;
	_ =	sdelay $0x1  }
0x69: {  	v1 =	vadd.f32 v2, v1;
	_ =	sdelay $0x1  }
0x6a: {  	s0 =	simm.s32 $0x3410;
	[tilespmem:s31+$0x0] =	vst v1  }
0x6b: {  	s4 =	simm.s32 $0x10;
	s13 =	simm.s32 $0x6800;
	s14 =	simm.s32 $0x20;
	v1 =	vld [tilespmem:s0+$0x0]  }
.LBB2_2:
0x6c: {  	p0 =	sne.s32 s14, $0x1F0;
	s5 =	sand.u32 $0x1F0, s4;
	s4 =	smov.u32 s14  }
0x6d: {  	v2 =	vld [tilespmem:s5+$0x3600];
	_ =	sdelay $0x2  }
0x6e: {  	v1 =	vadd.f32 v1, v0  }
.Ltmp0:
0x6f: {  	(pc) =	sbr.rel @p0 .LBB2_2-.Ltmp0, $4  }
0x70: {  	v1 =	vadd.f32 v2, v1  }
0x71: {  	s13 =	sadd.s32 $0x10, s13  }
0x72: {  	s0 =	sadd.s32 $0x10, s0;
	[tilespmem:s13+$0x0] =	vst v1  }
0x73: {  	s14 =	sadd.s32 $0x10, s14;
	v1 =	vld [tilespmem:s0+$0x0]  }
0x74: {  	s0 =	sand.u32 $0x1F0, s4  }
0x75: {  	v2 =	vld [tilespmem:s0+$0x3600];
	_ =	sdelay $0x2  }
0x76: {  	v0 =	vadd.f32 v1, v0;
	_ =	sdelay $0x1  }
0x77: {  	v0 =	vadd.f32 v2, v0  }
0x78: {  	s4 =	sadd.s32 $0x10, s13  }
0x79: {  	[tilespmem:s4+$0x0] =	vst v0  }
0x7a: {  	_ =	swait.ge [sflag:s21], $0x400  }
0x7b: {  	[sflag:s21] =	ssyncset.done $0x0  }
0x7c: {  	[sflag:s21] =	ssyncadd.s32 $0xFFFFFC00  }
0x7d: {  	_ =	swait.ge [sflag:s18], $0x200  }
0x7e: {  	[sflag:s18] =	ssyncset.done $0x0  }
0x7f: {  	[sflag:s18] =	ssyncadd.s32 $0xFFFFFE00  }
0x80: {  	_ =	swait.ge [sflag:s18], $0x200  }
0x81: {  	[sflag:s18] =	ssyncset.done $0x0  }
0x82: {  	s14 =	simm.s32 $0xC00;
	s5 =	simm.s32 $0x4000;
	[sflag:s18] =	ssyncadd.s32 $0xFFFFFE00  }
0x83: {  	[tilespmem:s5], [sflag:$0x4] =	stream.indirect.gather [spmem:s2], $0x1, s14, s12, $0xb8;
	[tilespmem:$0x15EC0] =	vst v63  }
0x84: {  	s13 =	rddreg [dreg:$0x11]  }
0x85: {  	[tilespmem:s22], [sflag:$0x2] =	stream.strided.gather [hbm4b:s13+s11], $0x200, s12, s11, $0x38;
	[tilespmem:$0x15EC0] =	vst v63  }
0x86: {  	s4 =	rddreg [dreg:$0x12];
	s5 =	simm.s32 $0x1600;
	s13 =	simm.s32 $0x0  }
0x87: {  	[tilespmem:s5], [sflag:$0x2] =	stream.strided.gather [hbm4b:s4+s11], $0x200, s12, s11, $0x38;
	[tilespmem:$0x15EC0] =	vst v63  }
0x88: {  	s4 =	sand.u32 $0x1F0, s13  }
0x89: {  	s0 =	simm.s32 $0x10;
	s13 =	simm.s32 $0x6800;
	v0 =	vld [tilespmem:s4+$0x3800]  }
.LBB2_4:
0x8a: {  	p0 =	sne.s32 s0, $0x1F0;
	v1 =	vld [tilespmem:s13+$0x0];
	_ =	sdelay $0x1  }
0x8b: {  	v2 =	vld [tilespmem:s4+$0x3A00];
	_ =	sdelay $0x2  }
0x8c: {  	v0 =	vadd.f32 v0, v1  }
.Ltmp1:
0x8d: {  	(pc) =	sbr.rel @p0 .LBB2_4-.Ltmp1, $3  }
0x8e: {  	v0 =	vadd.f32 v2, v0;
	_ =	sdelay $0x1  }
0x8f: {  	s4 =	sand.u32 $0x1F0, s0;
	[tilespmem:s13+$0x0] =	vst v0  }
0x90: {  	s0 =	sadd.s32 $0x10, s0;
	s13 =	sadd.s32 $0x10, s13;
	v0 =	vld [tilespmem:s4+$0x3800]  }
0x91: {  	v1 =	vld [tilespmem:s13+$0x0];
	_ =	sdelay $0x1  }
0x92: {  	v2 =	vld [tilespmem:s4+$0x3A00];
	_ =	sdelay $0x2  }
0x93: {  	v0 =	vadd.f32 v0, v1;
	_ =	sdelay $0x1  }
0x94: {  	v0 =	vadd.f32 v2, v0;
	_ =	sdelay $0x1  }
0x95: {  	[tilespmem:s13+$0x0] =	vst v0  }
0x96: {  	_ =	swait.ge [sflag:s19], $0x400  }
0x97: {  	[sflag:s19] =	ssyncset.done $0x0  }
0x98: {  	[sflag:s19] =	ssyncadd.s32 $0xFFFFFC00  }
0x99: {  	_ =	swait.ge [sflag:s17], $0x200  }
0x9a: {  	[sflag:s17] =	ssyncset.done $0x0  }
0x9b: {  	[sflag:s17] =	ssyncadd.s32 $0xFFFFFE00  }
0x9c: {  	_ =	swait.ge [sflag:s17], $0x200  }
0x9d: {  	[sflag:s17] =	ssyncset.done $0x0  }
0x9e: {  	s0 =	simm.s32 $0x4400;
	[sflag:s17] =	ssyncadd.s32 $0xFFFFFE00  }
0x9f: {  	[tilespmem:s0], [sflag:$0x3] =	stream.indirect.gather [spmem:s2], $0x1, s20, s12, $0xb8;
	[tilespmem:$0x15EC0] =	vst v63  }
0xa0: {  	s13 =	rddreg [dreg:$0x13]  }
0xa1: {  	[tilespmem:s23], [sflag:$0x1] =	stream.strided.gather [hbm4b:s13+s11], $0x200, s12, s11, $0x38;
	[tilespmem:$0x15EC0] =	vst v63  }
0xa2: {  	s5 =	simm.s32 $0x1A00;
	s4 =	rddreg [dreg:$0x15];
	s13 =	simm.s32 $0x0  }
0xa3: {  	[tilespmem:s5], [sflag:$0x1] =	stream.strided.gather [hbm4b:s4+s11], $0x200, s12, s11, $0x38;
	[tilespmem:$0x15EC0] =	vst v63  }
0xa4: {  	s4 =	sand.u32 $0x1F0, s13  }
0xa5: {  	s0 =	simm.s32 $0x10;
	s13 =	simm.s32 $0x6800;
	v0 =	vld [tilespmem:s4+$0x3C00]  }
.LBB2_6:
0xa6: {  	p0 =	sne.s32 s0, $0x1F0;
	v1 =	vld [tilespmem:s13+$0x0];
	_ =	sdelay $0x1  }
0xa7: {  	v2 =	vld [tilespmem:s4+$0x3E00];
	_ =	sdelay $0x2  }
0xa8: {  	v0 =	vadd.f32 v0, v1  }
.Ltmp2:
0xa9: {  	(pc) =	sbr.rel @p0 .LBB2_6-.Ltmp2, $3  }
0xaa: {  	v0 =	vadd.f32 v2, v0;
	_ =	sdelay $0x1  }
0xab: {  	s4 =	sand.u32 $0x1F0, s0;
	[tilespmem:s13+$0x0] =	vst v0  }
0xac: {  	s0 =	sadd.s32 $0x10, s0;
	s13 =	sadd.s32 $0x10, s13;
	v0 =	vld [tilespmem:s4+$0x3C00]  }
0xad: {  	v1 =	vld [tilespmem:s13+$0x0];
	_ =	sdelay $0x1  }
0xae: {  	v2 =	vld [tilespmem:s4+$0x3E00];
	_ =	sdelay $0x2  }
0xaf: {  	v0 =	vadd.f32 v0, v1;
	_ =	sdelay $0x1  }
0xb0: {  	v0 =	vadd.f32 v2, v0;
	_ =	sdelay $0x1  }
0xb1: {  	[tilespmem:s13+$0x0] =	vst v0  }
0xb2: {  	_ =	swait.ge [sflag:s21], $0x400  }
0xb3: {  	[sflag:s21] =	ssyncset.done $0x0  }
0xb4: {  	[sflag:s21] =	ssyncadd.s32 $0xFFFFFC00  }
0xb5: {  	_ =	swait.ge [sflag:s18], $0x200  }
0xb6: {  	[sflag:s18] =	ssyncset.done $0x0  }
0xb7: {  	[sflag:s18] =	ssyncadd.s32 $0xFFFFFE00  }
0xb8: {  	_ =	swait.ge [sflag:s18], $0x200  }
0xb9: {  	[sflag:s18] =	ssyncset.done $0x0  }
0xba: {  	s0 =	simm.s32 $0x4800;
	[sflag:s18] =	ssyncadd.s32 $0xFFFFFE00  }
0xbb: {  	[tilespmem:s0], [sflag:$0x4] =	stream.indirect.gather [spmem:s2], $0x1, s22, s12, $0xb8;
	[tilespmem:$0x15EC0] =	vst v63  }
0xbc: {  	s13 =	rddreg [dreg:$0x19]  }
0xbd: {  	[tilespmem:s24], [sflag:$0x2] =	stream.strided.gather [hbm4b:s13+s11], $0x200, s12, s11, $0x38;
	[tilespmem:$0x15EC0] =	vst v63  }
0xbe: {  	s5 =	simm.s32 $0x1E00;
	s4 =	rddreg [dreg:$0x1a];
	s13 =	simm.s32 $0x0  }
0xbf: {  	[tilespmem:s5], [sflag:$0x2] =	stream.strided.gather [hbm4b:s4+s11], $0x200, s12, s11, $0x38;
	[tilespmem:$0x15EC0] =	vst v63  }
0xc0: {  	s4 =	sand.u32 $0x1F0, s13  }
0xc1: {  	s0 =	simm.s32 $0x10;
	s13 =	simm.s32 $0x6800;
	v0 =	vld [tilespmem:s4+$0x4000]  }
.LBB2_8:
0xc2: {  	p0 =	sne.s32 s0, $0x1F0;
	v1 =	vld [tilespmem:s13+$0x0];
	_ =	sdelay $0x1  }
0xc3: {  	v2 =	vld [tilespmem:s4+$0x4200];
	_ =	sdelay $0x2  }
0xc4: {  	v0 =	vadd.f32 v0, v1  }
.Ltmp3:
0xc5: {  	(pc) =	sbr.rel @p0 .LBB2_8-.Ltmp3, $3  }
0xc6: {  	v0 =	vadd.f32 v2, v0;
	_ =	sdelay $0x1  }
0xc7: {  	s4 =	sand.u32 $0x1F0, s0;
	[tilespmem:s13+$0x0] =	vst v0  }
0xc8: {  	s0 =	sadd.s32 $0x10, s0;
	s13 =	sadd.s32 $0x10, s13;
	v0 =	vld [tilespmem:s4+$0x4000]  }
0xc9: {  	v1 =	vld [tilespmem:s13+$0x0];
	_ =	sdelay $0x1  }
0xca: {  	v2 =	vld [tilespmem:s4+$0x4200];
	_ =	sdelay $0x2  }
0xcb: {  	v0 =	vadd.f32 v0, v1;
	_ =	sdelay $0x1  }
0xcc: {  	v0 =	vadd.f32 v2, v0;
	_ =	sdelay $0x1  }
0xcd: {  	[tilespmem:s13+$0x0] =	vst v0  }
0xce: {  	_ =	swait.ge [sflag:s19], $0x400  }
0xcf: {  	[sflag:s19] =	ssyncset.done $0x0  }
0xd0: {  	[sflag:s19] =	ssyncadd.s32 $0xFFFFFC00  }
0xd1: {  	_ =	swait.ge [sflag:s17], $0x200  }
0xd2: {  	[sflag:s17] =	ssyncset.done $0x0  }
0xd3: {  	[sflag:s17] =	ssyncadd.s32 $0xFFFFFE00  }
0xd4: {  	_ =	swait.ge [sflag:s17], $0x200  }
0xd5: {  	[sflag:s17] =	ssyncset.done $0x0  }
0xd6: {  	s0 =	simm.s32 $0x4C00;
	[sflag:s17] =	ssyncadd.s32 $0xFFFFFE00  }
0xd7: {  	[tilespmem:s0], [sflag:$0x3] =	stream.indirect.gather [spmem:s2], $0x1, s23, s12, $0xb8;
	[tilespmem:$0x15EC0] =	vst v63  }
0xd8: {  	s13 =	rddreg [dreg:$0x1b]  }
0xd9: {  	[tilespmem:s25], [sflag:$0x1] =	stream.strided.gather [hbm4b:s13+s11], $0x200, s12, s11, $0x38;
	[tilespmem:$0x15EC0] =	vst v63  }
0xda: {  	s5 =	simm.s32 $0x2200;
	s4 =	rddreg [dreg:$0x1c];
	s13 =	simm.s32 $0x0  }
0xdb: {  	[tilespmem:s5], [sflag:$0x1] =	stream.strided.gather [hbm4b:s4+s11], $0x200, s12, s11, $0x38;
	[tilespmem:$0x15EC0] =	vst v63  }
0xdc: {  	s4 =	sand.u32 $0x1F0, s13  }
0xdd: {  	s0 =	simm.s32 $0x10;
	s13 =	simm.s32 $0x6800;
	v0 =	vld [tilespmem:s4+$0x4400]  }
.LBB2_10:
0xde: {  	p0 =	sne.s32 s0, $0x1F0;
	v1 =	vld [tilespmem:s13+$0x0];
	_ =	sdelay $0x1  }
0xdf: {  	v2 =	vld [tilespmem:s4+$0x4600];
	_ =	sdelay $0x2  }
0xe0: {  	v0 =	vadd.f32 v0, v1  }
.Ltmp4:
0xe1: {  	(pc) =	sbr.rel @p0 .LBB2_10-.Ltmp4, $3  }
0xe2: {  	v0 =	vadd.f32 v2, v0;
	_ =	sdelay $0x1  }
0xe3: {  	s4 =	sand.u32 $0x1F0, s0;
	[tilespmem:s13+$0x0] =	vst v0  }
0xe4: {  	s0 =	sadd.s32 $0x10, s0;
	s13 =	sadd.s32 $0x10, s13;
	v0 =	vld [tilespmem:s4+$0x4400]  }
0xe5: {  	v1 =	vld [tilespmem:s13+$0x0];
	_ =	sdelay $0x1  }
0xe6: {  	v2 =	vld [tilespmem:s4+$0x4600];
	_ =	sdelay $0x2  }
0xe7: {  	v0 =	vadd.f32 v0, v1;
	_ =	sdelay $0x1  }
0xe8: {  	v0 =	vadd.f32 v2, v0;
	_ =	sdelay $0x1  }
0xe9: {  	[tilespmem:s13+$0x0] =	vst v0  }
0xea: {  	_ =	swait.ge [sflag:s21], $0x400  }
0xeb: {  	[sflag:s21] =	ssyncset.done $0x0  }
0xec: {  	[sflag:s21] =	ssyncadd.s32 $0xFFFFFC00  }
0xed: {  	_ =	swait.ge [sflag:s18], $0x200  }
0xee: {  	[sflag:s18] =	ssyncset.done $0x0  }
0xef: {  	[sflag:s18] =	ssyncadd.s32 $0xFFFFFE00  }
0xf0: {  	_ =	swait.ge [sflag:s18], $0x200  }
0xf1: {  	[sflag:s18] =	ssyncset.done $0x0  }
0xf2: {  	s0 =	simm.s32 $0x5000;
	[sflag:s18] =	ssyncadd.s32 $0xFFFFFE00  }
0xf3: {  	[tilespmem:s0], [sflag:$0x4] =	stream.indirect.gather [spmem:s2], $0x1, s24, s12, $0xb8;
	[tilespmem:$0x15EC0] =	vst v63  }
0xf4: {  	s13 =	rddreg [dreg:$0x1d]  }
0xf5: {  	[tilespmem:s26], [sflag:$0x2] =	stream.strided.gather [hbm4b:s13+s11], $0x200, s12, s11, $0x38;
	[tilespmem:$0x15EC0] =	vst v63  }
0xf6: {  	s5 =	simm.s32 $0x2600;
	s4 =	rddreg [dreg:$0x1e];
	s13 =	simm.s32 $0x0  }
0xf7: {  	[tilespmem:s5], [sflag:$0x2] =	stream.strided.gather [hbm4b:s4+s11], $0x200, s12, s11, $0x38;
	[tilespmem:$0x15EC0] =	vst v63  }
0xf8: {  	s4 =	sand.u32 $0x1F0, s13  }
0xf9: {  	s0 =	simm.s32 $0x10;
	s13 =	simm.s32 $0x6800;
	v0 =	vld [tilespmem:s4+$0x4800]  }
.LBB2_12:
0xfa: {  	p0 =	sne.s32 s0, $0x1F0;
	v1 =	vld [tilespmem:s13+$0x0];
	_ =	sdelay $0x1  }
0xfb: {  	v2 =	vld [tilespmem:s4+$0x4A00];
	_ =	sdelay $0x2  }
0xfc: {  	v0 =	vadd.f32 v0, v1  }
.Ltmp5:
0xfd: {  	(pc) =	sbr.rel @p0 .LBB2_12-.Ltmp5, $3  }
0xfe: {  	v0 =	vadd.f32 v2, v0;
	_ =	sdelay $0x1  }
0xff: {  	s4 =	sand.u32 $0x1F0, s0;
	[tilespmem:s13+$0x0] =	vst v0  }
0x100: {  	s0 =	sadd.s32 $0x10, s0;
	s13 =	sadd.s32 $0x10, s13;
	v0 =	vld [tilespmem:s4+$0x4800]  }
0x101: {  	v1 =	vld [tilespmem:s13+$0x0];
	_ =	sdelay $0x1  }
0x102: {  	v2 =	vld [tilespmem:s4+$0x4A00];
	_ =	sdelay $0x2  }
0x103: {  	v0 =	vadd.f32 v0, v1;
	_ =	sdelay $0x1  }
0x104: {  	v0 =	vadd.f32 v2, v0;
	_ =	sdelay $0x1  }
0x105: {  	[tilespmem:s13+$0x0] =	vst v0  }
0x106: {  	_ =	swait.ge [sflag:s19], $0x400  }
0x107: {  	[sflag:s19] =	ssyncset.done $0x0  }
0x108: {  	[sflag:s19] =	ssyncadd.s32 $0xFFFFFC00  }
0x109: {  	_ =	swait.ge [sflag:s17], $0x200  }
0x10a: {  	[sflag:s17] =	ssyncset.done $0x0  }
0x10b: {  	[sflag:s17] =	ssyncadd.s32 $0xFFFFFE00  }
0x10c: {  	_ =	swait.ge [sflag:s17], $0x200  }
0x10d: {  	[sflag:s17] =	ssyncset.done $0x0  }
0x10e: {  	s0 =	simm.s32 $0x5400;
	s13 =	rddreg [dreg:$0x1f];
	[sflag:s17] =	ssyncadd.s32 $0xFFFFFE00  }
0x10f: {  	[tilespmem:s0], [sflag:$0x3] =	stream.indirect.gather [spmem:s2], $0x1, s25, s12, $0xb8;
	[tilespmem:$0x15EC0] =	vst v63  }
0x110: {  	s4 =	sld [smem:$0x7FC]  }
0x111: {  	[tilespmem:s28], [sflag:$0x1] =	stream.strided.gather [hbm4b:s13+s11], $0x200, s12, s11, $0x38;
	[tilespmem:$0x15EC0] =	vst v63  }
0x112: {  	s5 =	simm.s32 $0x2A00;
	s13 =	simm.s32 $0x0  }
0x113: {  	[tilespmem:s5], [sflag:$0x1] =	stream.strided.gather [hbm4b:s4+s11], $0x200, s12, s11, $0x38;
	[tilespmem:$0x15EC0] =	vst v63  }
0x114: {  	s4 =	sand.u32 $0x1F0, s13  }
0x115: {  	s0 =	simm.s32 $0x10;
	s13 =	simm.s32 $0x6800;
	v0 =	vld [tilespmem:s4+$0x4C00]  }
.LBB2_14:
0x116: {  	p0 =	sne.s32 s0, $0x1F0;
	v1 =	vld [tilespmem:s13+$0x0];
	_ =	sdelay $0x1  }
0x117: {  	v2 =	vld [tilespmem:s4+$0x4E00];
	_ =	sdelay $0x2  }
0x118: {  	v0 =	vadd.f32 v0, v1  }
.Ltmp6:
0x119: {  	(pc) =	sbr.rel @p0 .LBB2_14-.Ltmp6, $3  }
0x11a: {  	v0 =	vadd.f32 v2, v0;
	_ =	sdelay $0x1  }
0x11b: {  	s4 =	sand.u32 $0x1F0, s0;
	[tilespmem:s13+$0x0] =	vst v0  }
0x11c: {  	s0 =	sadd.s32 $0x10, s0;
	s13 =	sadd.s32 $0x10, s13;
	v0 =	vld [tilespmem:s4+$0x4C00]  }
0x11d: {  	v1 =	vld [tilespmem:s13+$0x0];
	_ =	sdelay $0x1  }
0x11e: {  	v2 =	vld [tilespmem:s4+$0x4E00];
	_ =	sdelay $0x2  }
0x11f: {  	v0 =	vadd.f32 v0, v1;
	_ =	sdelay $0x1  }
0x120: {  	v0 =	vadd.f32 v2, v0;
	_ =	sdelay $0x1  }
0x121: {  	[tilespmem:s13+$0x0] =	vst v0  }
0x122: {  	_ =	swait.ge [sflag:s21], $0x400  }
0x123: {  	[sflag:s21] =	ssyncset.done $0x0  }
0x124: {  	[sflag:s21] =	ssyncadd.s32 $0xFFFFFC00  }
0x125: {  	_ =	swait.ge [sflag:s18], $0x200  }
0x126: {  	[sflag:s18] =	ssyncset.done $0x0  }
0x127: {  	[sflag:s18] =	ssyncadd.s32 $0xFFFFFE00  }
0x128: {  	_ =	swait.ge [sflag:s18], $0x200  }
0x129: {  	[sflag:s18] =	ssyncset.done $0x0  }
0x12a: {  	s0 =	simm.s32 $0x5800;
	s4 =	sld [smem:$0x7FD];
	[sflag:s18] =	ssyncadd.s32 $0xFFFFFE00  }
0x12b: {  	[tilespmem:s0], [sflag:$0x4] =	stream.indirect.gather [spmem:s2], $0x1, s26, s12, $0xb8;
	[tilespmem:$0x15EC0] =	vst v63  }
0x12c: {  	s13 =	simm.s32 $0x0  }
0x12d: {  	[tilespmem:s29], [sflag:$0x2] =	stream.strided.gather [hbm4b:s4+s11], $0x200, s12, s11, $0x38;
	[tilespmem:$0x15EC0] =	vst v63  }
0x12e: {  	s5 =	simm.s32 $0x2E00;
	s4 =	sand.u32 $0x1F0, s13  }
0x12f: {  	[tilespmem:s5], [sflag:$0x2] =	stream.strided.gather [hbm4b:s6+s11], $0x200, s12, s11, $0x38;
	[tilespmem:$0x15EC0] =	vst v63  }
0x130: {  	s0 =	simm.s32 $0x10;
	s13 =	simm.s32 $0x6800;
	v0 =	vld [tilespmem:s4+$0x5000]  }
.LBB2_16:
0x131: {  	p0 =	sne.s32 s0, $0x1F0;
	v1 =	vld [tilespmem:s13+$0x0];
	_ =	sdelay $0x1  }
0x132: {  	v2 =	vld [tilespmem:s4+$0x5200];
	_ =	sdelay $0x2  }
0x133: {  	v0 =	vadd.f32 v0, v1  }
.Ltmp7:
0x134: {  	(pc) =	sbr.rel @p0 .LBB2_16-.Ltmp7, $3  }
0x135: {  	v0 =	vadd.f32 v2, v0;
	_ =	sdelay $0x1  }
0x136: {  	s4 =	sand.u32 $0x1F0, s0;
	[tilespmem:s13+$0x0] =	vst v0  }
0x137: {  	s0 =	sadd.s32 $0x10, s0;
	s13 =	sadd.s32 $0x10, s13;
	v0 =	vld [tilespmem:s4+$0x5000]  }
0x138: {  	v1 =	vld [tilespmem:s13+$0x0];
	_ =	sdelay $0x1  }
0x139: {  	v2 =	vld [tilespmem:s4+$0x5200];
	_ =	sdelay $0x2  }
0x13a: {  	v0 =	vadd.f32 v0, v1;
	_ =	sdelay $0x1  }
0x13b: {  	v0 =	vadd.f32 v2, v0;
	_ =	sdelay $0x1  }
0x13c: {  	[tilespmem:s13+$0x0] =	vst v0  }
0x13d: {  	_ =	swait.ge [sflag:s19], $0x400  }
0x13e: {  	[sflag:s19] =	ssyncset.done $0x0  }
0x13f: {  	[sflag:s19] =	ssyncadd.s32 $0xFFFFFC00  }
0x140: {  	_ =	swait.ge [sflag:s17], $0x200  }
0x141: {  	[sflag:s17] =	ssyncset.done $0x0  }
0x142: {  	[sflag:s17] =	ssyncadd.s32 $0xFFFFFE00  }
0x143: {  	_ =	swait.ge [sflag:s17], $0x200  }
0x144: {  	[sflag:s17] =	ssyncset.done $0x0  }
0x145: {  	s0 =	simm.s32 $0x5C00;
	[sflag:s17] =	ssyncadd.s32 $0xFFFFFE00  }
0x146: {  	[tilespmem:s0], [sflag:$0x3] =	stream.indirect.gather [spmem:s2], $0x1, s28, s12, $0xb8;
	[tilespmem:$0x15EC0] =	vst v63  }
0x147: {  	s13 =	simm.s32 $0x0  }
0x148: {  	[tilespmem:s30], [sflag:$0x1] =	stream.strided.gather [hbm4b:s9+s11], $0x200, s12, s11, $0x38;
	[tilespmem:$0x15EC0] =	vst v63  }
0x149: {  	s5 =	simm.s32 $0x3200;
	s4 =	sand.u32 $0x1F0, s13  }
0x14a: {  	[tilespmem:s5], [sflag:$0x1] =	stream.strided.gather [hbm4b:s10+s11], $0x200, s12, s11, $0x38;
	[tilespmem:$0x15EC0] =	vst v63  }
0x14b: {  	s13 =	simm.s32 $0x6800;
	s0 =	simm.s32 $0x10;
	v0 =	vld [tilespmem:s4+$0x5400]  }
.LBB2_18:
0x14c: {  	p0 =	sne.s32 s0, $0x1F0;
	v1 =	vld [tilespmem:s13+$0x0];
	_ =	sdelay $0x1  }
0x14d: {  	v2 =	vld [tilespmem:s4+$0x5600];
	_ =	sdelay $0x2  }
0x14e: {  	v0 =	vadd.f32 v0, v1  }
.Ltmp8:
0x14f: {  	(pc) =	sbr.rel @p0 .LBB2_18-.Ltmp8, $3  }
0x150: {  	v0 =	vadd.f32 v2, v0;
	_ =	sdelay $0x1  }
0x151: {  	s4 =	sand.u32 $0x1F0, s0;
	[tilespmem:s13+$0x0] =	vst v0  }
0x152: {  	s0 =	sadd.s32 $0x10, s0;
	s13 =	sadd.s32 $0x10, s13;
	v0 =	vld [tilespmem:s4+$0x5400]  }
0x153: {  	v1 =	vld [tilespmem:s13+$0x0];
	_ =	sdelay $0x1  }
0x154: {  	v2 =	vld [tilespmem:s4+$0x5600];
	_ =	sdelay $0x2  }
0x155: {  	v0 =	vadd.f32 v0, v1;
	_ =	sdelay $0x1  }
0x156: {  	v0 =	vadd.f32 v2, v0;
	_ =	sdelay $0x1  }
0x157: {  	[tilespmem:s13+$0x0] =	vst v0  }
0x158: {  	_ =	swait.ge [sflag:s21], $0x400  }
0x159: {  	[sflag:s21] =	ssyncset.done $0x0  }
0x15a: {  	[sflag:s21] =	ssyncadd.s32 $0xFFFFFC00  }
0x15b: {  	_ =	swait.ge [sflag:s18], $0x200  }
0x15c: {  	[sflag:s18] =	ssyncset.done $0x0  }
0x15d: {  	[sflag:s18] =	ssyncadd.s32 $0xFFFFFE00  }
0x15e: {  	_ =	swait.ge [sflag:s18], $0x200  }
0x15f: {  	s13 =	simm.s32 $0x0;
	[sflag:s18] =	ssyncset.done $0x0  }
0x160: {  	s0 =	simm.s32 $0x6000;
	s4 =	sand.u32 $0x1F0, s13;
	[sflag:s18] =	ssyncadd.s32 $0xFFFFFE00  }
0x161: {  	[tilespmem:s0], [sflag:$0x4] =	stream.indirect.gather [spmem:s2], $0x1, s29, s12, $0xb8;
	[tilespmem:$0x15EC0] =	vst v63  }
0x162: {  	s13 =	simm.s32 $0x6800;
	s0 =	simm.s32 $0x10;
	v0 =	vld [tilespmem:s4+$0x5800]  }
.LBB2_20:
0x163: {  	p0 =	sne.s32 s0, $0x1F0;
	v1 =	vld [tilespmem:s13+$0x0];
	_ =	sdelay $0x1  }
0x164: {  	v2 =	vld [tilespmem:s4+$0x5A00];
	_ =	sdelay $0x2  }
0x165: {  	v0 =	vadd.f32 v0, v1  }
.Ltmp9:
0x166: {  	(pc) =	sbr.rel @p0 .LBB2_20-.Ltmp9, $3  }
0x167: {  	v0 =	vadd.f32 v2, v0;
	_ =	sdelay $0x1  }
0x168: {  	s4 =	sand.u32 $0x1F0, s0;
	[tilespmem:s13+$0x0] =	vst v0  }
0x169: {  	s0 =	sadd.s32 $0x10, s0;
	s13 =	sadd.s32 $0x10, s13;
	v0 =	vld [tilespmem:s4+$0x5800]  }
0x16a: {  	v1 =	vld [tilespmem:s13+$0x0];
	_ =	sdelay $0x1  }
0x16b: {  	v2 =	vld [tilespmem:s4+$0x5A00];
	_ =	sdelay $0x2  }
0x16c: {  	v0 =	vadd.f32 v0, v1;
	_ =	sdelay $0x1  }
0x16d: {  	v0 =	vadd.f32 v2, v0;
	_ =	sdelay $0x1  }
0x16e: {  	[tilespmem:s13+$0x0] =	vst v0  }
0x16f: {  	_ =	swait.ge [sflag:s19], $0x400  }
0x170: {  	[sflag:s19] =	ssyncset.done $0x0  }
0x171: {  	[sflag:s19] =	ssyncadd.s32 $0xFFFFFC00  }
0x172: {  	_ =	swait.ge [sflag:s17], $0x200  }
0x173: {  	[sflag:s17] =	ssyncset.done $0x0  }
0x174: {  	[sflag:s17] =	ssyncadd.s32 $0xFFFFFE00  }
0x175: {  	_ =	swait.ge [sflag:s17], $0x200  }
0x176: {  	s13 =	simm.s32 $0x0;
	[sflag:s17] =	ssyncset.done $0x0  }
0x177: {  	s0 =	simm.s32 $0x6400;
	s4 =	sand.u32 $0x1F0, s13;
	[sflag:s17] =	ssyncadd.s32 $0xFFFFFE00  }
0x178: {  	[tilespmem:s0], [sflag:$0x3] =	stream.indirect.gather [spmem:s2], $0x1, s30, s12, $0xb8;
	[tilespmem:$0x15EC0] =	vst v63  }
0x179: {  	s13 =	simm.s32 $0x6800;
	s0 =	simm.s32 $0x10;
	v0 =	vld [tilespmem:s4+$0x5C00]  }
.LBB2_22:
0x17a: {  	p0 =	sne.s32 s0, $0x1F0;
	v1 =	vld [tilespmem:s13+$0x0];
	_ =	sdelay $0x1  }
0x17b: {  	v2 =	vld [tilespmem:s4+$0x5E00];
	_ =	sdelay $0x2  }
0x17c: {  	v0 =	vadd.f32 v0, v1  }
.Ltmp10:
0x17d: {  	(pc) =	sbr.rel @p0 .LBB2_22-.Ltmp10, $3  }
0x17e: {  	v0 =	vadd.f32 v2, v0;
	_ =	sdelay $0x1  }
0x17f: {  	s4 =	sand.u32 $0x1F0, s0;
	[tilespmem:s13+$0x0] =	vst v0  }
0x180: {  	s0 =	sadd.s32 $0x10, s0;
	s13 =	sadd.s32 $0x10, s13;
	v0 =	vld [tilespmem:s4+$0x5C00]  }
0x181: {  	v1 =	vld [tilespmem:s13+$0x0];
	_ =	sdelay $0x1  }
0x182: {  	v2 =	vld [tilespmem:s4+$0x5E00];
	_ =	sdelay $0x2  }
0x183: {  	v0 =	vadd.f32 v0, v1;
	_ =	sdelay $0x1  }
0x184: {  	v0 =	vadd.f32 v2, v0;
	_ =	sdelay $0x1  }
0x185: {  	[tilespmem:s13+$0x0] =	vst v0  }
0x186: {  	_ =	swait.ge [sflag:s21], $0x400  }
0x187: {  	s0 =	simm.s32 $0x0;
	[sflag:s21] =	ssyncset.done $0x0  }
0x188: {  	s4 =	sand.u32 $0x1F0, s0;
	[sflag:s21] =	ssyncadd.s32 $0xFFFFFC00  }
0x189: {  	s0 =	simm.s32 $0x10;
	s13 =	simm.s32 $0x6800;
	v0 =	vld [tilespmem:s4+$0x6000]  }
.LBB2_24:
0x18a: {  	p0 =	sne.s32 s0, $0x1F0;
	v1 =	vld [tilespmem:s13+$0x0];
	_ =	sdelay $0x1  }
0x18b: {  	v2 =	vld [tilespmem:s4+$0x6200];
	_ =	sdelay $0x2  }
0x18c: {  	v0 =	vadd.f32 v0, v1  }
.Ltmp11:
0x18d: {  	(pc) =	sbr.rel @p0 .LBB2_24-.Ltmp11, $3  }
0x18e: {  	v0 =	vadd.f32 v2, v0;
	_ =	sdelay $0x1  }
0x18f: {  	s4 =	sand.u32 $0x1F0, s0;
	[tilespmem:s13+$0x0] =	vst v0  }
0x190: {  	s0 =	sadd.s32 $0x10, s0;
	s13 =	sadd.s32 $0x10, s13;
	v0 =	vld [tilespmem:s4+$0x6000]  }
0x191: {  	v1 =	vld [tilespmem:s13+$0x0];
	_ =	sdelay $0x1  }
0x192: {  	v2 =	vld [tilespmem:s4+$0x6200];
	_ =	sdelay $0x2  }
0x193: {  	v0 =	vadd.f32 v0, v1;
	_ =	sdelay $0x1  }
0x194: {  	v0 =	vadd.f32 v2, v0;
	_ =	sdelay $0x1  }
0x195: {  	[tilespmem:s13+$0x0] =	vst v0  }
0x196: {  	_ =	swait.ge [sflag:s19], $0x400  }
0x197: {  	s0 =	simm.s32 $0x0;
	[sflag:s19] =	ssyncset.done $0x0  }
0x198: {  	s4 =	sand.u32 $0x1F0, s0;
	[sflag:s19] =	ssyncadd.s32 $0xFFFFFC00  }
0x199: {  	s0 =	simm.s32 $0x10;
	s13 =	simm.s32 $0x6800;
	v0 =	vld [tilespmem:s4+$0x6400]  }
.LBB2_26:
0x19a: {  	p0 =	sne.s32 s0, $0x1F0;
	v1 =	vld [tilespmem:s13+$0x0];
	_ =	sdelay $0x1  }
0x19b: {  	v2 =	vld [tilespmem:s4+$0x6600];
	_ =	sdelay $0x2  }
0x19c: {  	v0 =	vadd.f32 v0, v1  }
.Ltmp12:
0x19d: {  	(pc) =	sbr.rel @p0 .LBB2_26-.Ltmp12, $3  }
0x19e: {  	v0 =	vadd.f32 v2, v0;
	_ =	sdelay $0x1  }
0x19f: {  	s4 =	sand.u32 $0x1F0, s0;
	[tilespmem:s13+$0x0] =	vst v0  }
0x1a0: {  	s0 =	sadd.s32 $0x10, s0;
	s13 =	sadd.s32 $0x10, s13;
	v0 =	vld [tilespmem:s4+$0x6400]  }
0x1a1: {  	v1 =	vld [tilespmem:s13+$0x0];
	_ =	sdelay $0x1  }
0x1a2: {  	v2 =	vld [tilespmem:s4+$0x6600];
	_ =	sdelay $0x2  }
0x1a3: {  	v0 =	vadd.f32 v0, v1;
	_ =	sdelay $0x1  }
0x1a4: {  	v0 =	vadd.f32 v2, v0;
	_ =	sdelay $0x1  }
0x1a5: {  	s0 =	rddreg [dreg:$0x14];
	[tilespmem:s13+$0x0] =	vst v0  }
0x1a6: {  	[hbm4b:s0+s3] =	stream.linear.scatter [tilespmem:s31], [sflag:$0x6], $0x200, $0x38;
	[tilespmem:$0x15EC0] =	vst v63  }
0x1a7: {  	_ =	swait.ge [sflag:s15], $0x200  }
0x1a8: {  	s1 =	sadd.s32 $0x1, s1;
	s13 =	rddreg [dreg:$0x16]  }
0x1a9: {  	p0 =	sne.s32 s1, s13  }
.Ltmp13:
0x1aa: {  	_ = 	snop;
	(pc) =	sbr.rel @p0 .LBB2_1-.Ltmp13, $3  }
0x1ab: {  	_ =	sdelay $0x1  }
0x1ac: {  	[sflag:s15] =	ssyncset.done $0x0  }
0x1ad: {  	[sflag:s15] =	ssyncadd.s32 $0xFFFFFE00  }
0x1ae: {  	_ =	sfence.sel $0x180000  }
0x1af: {  	[bflag:$0x0] =	sbarrier.arrive $0xFFFF  }
0x1b0: {  	_ =	strace $0x90000047  }
0x1b1: {  	s0 =	stileid.u32;
	[bflag:$0x2] =	sbarrier.arrive $0xFFFF  }
0x1b2: {  	p0 =	sne.s32 s0, $0x0;
	s0 =	rddreg [dreg:$0x4]  }
0x1b3: {  	s0 =	sadd.s32 @!p0 $0x100000, s0  }
0x1b4: {  	[sflag:s0] =	ssyncadd.tile.s32 @!p0 $0x1;
	_ =	shalt  }
.Lfunc_end2:
_tile_overlayer_lowered:
.L_overlay_start_2:
0x1b5: {  	(tag) =	ssettag $0x2  }
0x1b6: {  	s0 =	rddreg [dreg:$0x0];
	s2 =	stileid.u32  }
0x1b7: {  	s1 =	rddreg [dreg:$0x1];
	p0 =	sne.s32 s2, $0x0  }
0x1b8: {  	s3 =	rddreg [dreg:$0x2];
	[bflag:$0x3] =	sbarrier.arrive $0xFFFF;
	s2 =	simm.s32 @!p0 $0x1C06  }
0x1b9: {  	[timem:s3], [sflag:s2] =	dma.local @!p0 [hbm:s0], s1  }
0x1ba: {  	s0 =	simm.s32 @!p0 $0x6  }
0x1bb: {  	_ =	swait.ge @!p0 [sflag:s0], s1  }
0x1bc: {  	s1 =	ssub.s32 @!p0 $0x0, s1;
	[sflag:s0] =	ssyncset.done @!p0 $0x0  }
0x1bd: {  	[sflag:s0] =	ssyncadd.s32 @!p0 s1  }
0x1be: {  	[bflag:$0x3] =	sbarrier.arrive $0xFFFF  }
0x1bf: {  	_ =	shalt  }

</sc_bundles>
